<compile_context>
chip_gen: v7x
topology: tpu7x:2x2x1
jax: 0.10.2.dev20260603
libtpu: 0.0.44.dev20260713+nightly
codegen_flags: <defaults>
</compile_context>

<pallas_src>
import functools

import jax
import jax.numpy as jnp
from jax import lax
from jax.experimental import pallas as pl
from jax.experimental.pallas import tpu as pltpu
from jax.experimental.pallas import tpu_sc as plsc

_HIST_PAD = 0.01
_EPS = 1e-5
_S = 128
_NBINS = 129
_OUTW = 258
_L = 16


def _sc_sampler(gpw, w_hbm, b_hbm, n_hbm, f_hbm, out_hbm,
                wbuf, binsbuf, nbuf, fbuf, cdfraw, dbbuf, invdbuf, qbuf,
                flagbuf, outbuf):
    nc = 2
    wid = lax.axis_index("s") * nc + lax.axis_index("c")
    lane = lax.iota(jnp.int32, _L)
    base_w = lane * _S
    base_c = lane * _NBINS
    base_o = lane * _OUTW
    zero_f = jnp.zeros((_L,), jnp.float32)
    zero_i = jnp.zeros((_L,), jnp.int32)
    one_i = jnp.ones((_L,), jnp.int32)

    @plsc.parallel_loop(0, _L * _OUTW, step=_L, unroll=4)
    def _(o):
        flagbuf[pl.ds(o, _L)] = zero_i

    def group_body(t, _):
        g = wid * gpw + t
        pltpu.sync_copy(w_hbm.at[pl.ds(g * (_L * _S), _L * _S)], wbuf)
        pltpu.sync_copy(b_hbm.at[pl.ds(g * (_L * _NBINS), _L * _NBINS)], binsbuf)
        pltpu.sync_copy(n_hbm.at[pl.ds(g * _L, _L)], nbuf)
        pltpu.sync_copy(f_hbm.at[pl.ds(g * _L, _L)], fbuf)

        def _cumsum_body(i, run):
            wv = plsc.load_gather(wbuf, [base_w + i]) + _HIST_PAD
            run = run + wv
            plsc.store_scatter(cdfraw, [base_w + i], run)
            return run

        wsum = plsc.parallel_loop(0, _S, unroll=8, carry=zero_f)(_cumsum_body)

        padding = jnp.maximum(_EPS - wsum, 0.0)
        inv = 1.0 / (wsum + padding)
        padper = padding * (1.0 / _S)

        plsc.store_scatter(dbbuf, [base_c + _S], zero_f)
        plsc.store_scatter(invdbuf, [base_c + _S], zero_f)
        plsc.store_scatter(qbuf, [base_c + _S], zero_f)
        plsc.store_scatter(flagbuf, [base_o], one_i)

        @plsc.parallel_loop(0, _S, unroll=4)
        def _(s):
            craw = plsc.load_gather(cdfraw, [base_w + s])
            craw_p = plsc.load_gather(cdfraw, [base_w + jnp.maximum(s - 1, 0)])
            s_f = s.astype(jnp.float32)
            c1 = jnp.minimum(1.0, (craw + (s_f + 1.0) * padper) * inv)
            c0 = jnp.where(
                s == 0, 0.0,
                jnp.minimum(1.0, (craw_p + s_f * padper) * inv))
            denom = c1 - c0
            invd = jnp.where(denom > 0.0, 1.0 / denom, 0.0)
            q = c0 * invd
            b0 = plsc.load_gather(binsbuf, [base_c + s])
            b1 = plsc.load_gather(binsbuf, [(base_c + s) + 1])
            v = jnp.maximum(c1 * float(_NBINS) - 0.5, 0.0)
            ti = v.astype(jnp.int32)
            cnt = ti + (ti.astype(jnp.float32) < v).astype(jnp.int32)
            cnt = jnp.minimum(cnt, _NBINS)
            plsc.store_scatter(dbbuf, [base_c + s], b1 - b0)
            plsc.store_scatter(invdbuf, [base_c + s], invd)
            plsc.store_scatter(qbuf, [base_c + s], q)
            plsc.store_scatter(flagbuf, [((base_o + s) + 1) + cnt], one_i)

        near = nbuf[...]
        fmn = fbuf[...] - near

        def _walk_body(k, seg):
            isb = plsc.load_gather(flagbuf, [base_o + k])
            plsc.store_scatter(flagbuf, [base_o + k], zero_i)
            seg = seg + isb
            b0 = plsc.load_gather(binsbuf, [base_c + seg])
            db = plsc.load_gather(dbbuf, [base_c + seg])
            invd = plsc.load_gather(invdbuf, [base_c + seg])
            q = plsc.load_gather(qbuf, [base_c + seg])
            u = ((k - seg).astype(jnp.float32) - 0.5) * (1.0 / _NBINS)
            t = jnp.maximum(u * invd - q, 0.0)
            val = b0 + t * db
            eu = val * fmn + near
            plsc.store_scatter(outbuf, [base_o + k], eu)
            return seg

        plsc.parallel_loop(0, _OUTW, unroll=6,
                           carry=jnp.full((_L,), -1, jnp.int32))(_walk_body)
        pltpu.sync_copy(outbuf, out_hbm.at[pl.ds(g * (_L * _OUTW), _L * _OUTW)])
        return 0

    lax.fori_loop(0, gpw, group_body, 0)


def kernel(weights, spacing_bins, nears, fars):
    r = weights.shape[0]
    info = plsc.get_sparse_core_info()
    nw = info.num_cores * info.num_subcores
    gpw = (r // _L) // nw
    mesh = plsc.VectorSubcoreMesh(core_axis_name="c", subcore_axis_name="s")
    run = pl.kernel(
        functools.partial(_sc_sampler, gpw),
        out_type=jax.ShapeDtypeStruct((r * _OUTW,), jnp.float32),
        mesh=mesh,
        scratch_types=[
            pltpu.VMEM((_L * _S,), jnp.float32),
            pltpu.VMEM((_L * _NBINS,), jnp.float32),
            pltpu.VMEM((_L,), jnp.float32),
            pltpu.VMEM((_L,), jnp.float32),
            pltpu.VMEM((_L * _S,), jnp.float32),
            pltpu.VMEM((_L * _NBINS,), jnp.float32),
            pltpu.VMEM((_L * _NBINS,), jnp.float32),
            pltpu.VMEM((_L * _NBINS,), jnp.float32),
            pltpu.VMEM((_L * _OUTW,), jnp.int32),
            pltpu.VMEM((_L * _OUTW,), jnp.float32),
        ],
        compiler_params=pltpu.CompilerParams(needs_layout_passes=False),
        name="error_bounded_sampler_sc",
    )
    out = run(weights.reshape(r * _S),
              spacing_bins.reshape(r * _NBINS),
              nears.reshape(r),
              fars.reshape(r))
    return out.reshape(r, _OUTW)

# --- scband reference (transcript-rebuilt; emitter-appended) ---
"""Pipeline reference for scband-error-bounded-sampler-7928509628627 (READ-ONLY COPY).

The authoritative reference and input builder live on the scoring server;
editing this copy changes nothing except your own understanding.
"""

import jax, jax.numpy as jnp
import numpy as np

NUM_RAYS = 65536
NUM_EXISTING = 128
NUM_SAMPLES = 128
HIST_PAD = 0.01
EPS = 1e-5


def setup_inputs(seed: int = 0) -> dict:
    key = jax.random.key(seed)
    k1, k2, k3, k4 = jax.random.split(key, 4)
    R, S = NUM_RAYS, NUM_EXISTING
    weights = jax.random.uniform(k1, (R, S, 1), dtype=jnp.float32)
    spacing_bins = jnp.sort(jax.random.uniform(k2, (R, S + 1), dtype=jnp.float32), axis=-1)
    spacing_bins = spacing_bins.at[:, 0].set(0.0).at[:, -1].set(1.0)
    nears = jax.random.uniform(k3, (R, 1), dtype=jnp.float32) * 0.5 + 0.05
    fars = nears + jax.random.uniform(k4, (R, 1), dtype=jnp.float32) * 5.0 + 1.0
    return {"weights": weights, "spacing_bins": spacing_bins, "nears": nears, "fars": fars}


def _searchsorted_right(cdf, u):
    return jax.vmap(lambda c, uu: jnp.searchsorted(c, uu, side='right'))(cdf, u)


def reference(weights, spacing_bins, nears, fars):
    num_samples = NUM_SAMPLES
    num_bins = num_samples + 1
    w = weights[..., 0] + HIST_PAD
    weights_sum = jnp.sum(w, axis=-1, keepdims=True)
    padding = jax.nn.relu(EPS - weights_sum)
    w = w + padding / w.shape[-1]
    weights_sum = weights_sum + padding
    pdf = w / weights_sum
    cdf = jnp.minimum(jnp.ones_like(pdf), jnp.cumsum(pdf, axis=-1))
    cdf = jnp.concatenate([jnp.zeros_like(cdf[..., :1]), cdf], axis=-1)
    # eval-mode (deterministic) sampling positions, as in PDFSampler when not training
    u = jnp.linspace(0.0, 1.0 - 1.0 / num_bins, num_bins, dtype=jnp.float32)
    u = u + 1.0 / (2 * num_bins)
    u = jnp.broadcast_to(u, cdf.shape[:-1] + (num_bins,))
    existing_bins = spacing_bins
    inds = _searchsorted_right(cdf, u)
    below = jnp.clip(inds - 1, 0, existing_bins.shape[-1] - 1)
    above = jnp.clip(inds, 0, existing_bins.shape[-1] - 1)
    cdf_g0 = jnp.take_along_axis(cdf, below, axis=-1)
    bins_g0 = jnp.take_along_axis(existing_bins, below, axis=-1)
    cdf_g1 = jnp.take_along_axis(cdf, above, axis=-1)
    bins_g1 = jnp.take_along_axis(existing_bins, above, axis=-1)
    denom = cdf_g1 - cdf_g0
    t = jnp.clip(jnp.nan_to_num((u - cdf_g0) / denom, nan=0.0), 0.0, 1.0)
    bins = bins_g0 + t * (bins_g1 - bins_g0)
    # include_original: merge with existing bins and sort
    bins = jnp.sort(jnp.concatenate([existing_bins, bins], axis=-1), axis=-1)
    bins = jax.lax.stop_gradient(bins)  # torch: bins.detach()
    # spacing_to_euclidean_fn for UniformSampler (identity spacing_fn):
    # x * s_far + (1 - x) * s_near
    euclidean_bins = bins * fars + (1.0 - bins) * nears
    return euclidean_bins

if __name__ == "__main__":
    import jax
    _d = setup_inputs()
    print(jax.jit(kernel)(*tuple(_d.values())))

</pallas_src>

<mosaic_0001>
#map = affine_map<(d0, d1) -> (0)>
module attributes {stable_mosaic.version = 14 : i64} {
  func.func @error_bounded_sampler_sc(%arg0: i32, %arg1: i32, %arg2: memref<8388608xf32, #tpu.memory_space<hbm>>, %arg3: memref<8454144xf32, #tpu.memory_space<hbm>>, %arg4: memref<65536xf32, #tpu.memory_space<hbm>>, %arg5: memref<65536xf32, #tpu.memory_space<hbm>>, %arg6: memref<16908288xf32, #tpu.memory_space<hbm>>, %arg7: memref<2048xf32, #tpu.memory_space<vmem>>, %arg8: memref<2064xf32, #tpu.memory_space<vmem>>, %arg9: memref<16xf32, #tpu.memory_space<vmem>>, %arg10: memref<16xf32, #tpu.memory_space<vmem>>, %arg11: memref<2048xf32, #tpu.memory_space<vmem>>, %arg12: memref<2064xf32, #tpu.memory_space<vmem>>, %arg13: memref<2064xf32, #tpu.memory_space<vmem>>, %arg14: memref<2064xf32, #tpu.memory_space<vmem>>, %arg15: memref<4128xi32, #tpu.memory_space<vmem>>, %arg16: memref<4128xf32, #tpu.memory_space<vmem>>) attributes {dimension_semantics = [#tpu.dimension_semantics<core_parallel>, #tpu.dimension_semantics<subcore_parallel>], iteration_bounds = array<i64: 2, 16>, scalar_prefetch = 0 : i64, scratch_operands = 10 : i64, tpu.core_type = #tpu.core_type<sc_vector_subcore>, window_params = [{transform_indices = #map}, {transform_indices = #map}, {transform_indices = #map}, {transform_indices = #map}, {transform_indices = #map}]} {
    %mul3A = arith.constant 2 : i32
    %mul3A_0 = arith.muli %arg1, %mul3A : i32
    %add3A = arith.addi %mul3A_0, %arg0 : i32
    %iota3A = tpu.iota {dimensions = array<i32: 0>} : vector<16xi32>
    %mul3A_1 = arith.constant 128 : i32
    %mul3A_2 = vector.broadcast %mul3A_1 : i32 to vector<16xi32>
    %mul3A_3 = arith.muli %iota3A, %mul3A_2 : vector<16xi32>
    %mul3A_4 = arith.constant 129 : i32
    %mul3A_5 = vector.broadcast %mul3A_4 : i32 to vector<16xi32>
    %mul3A_6 = arith.muli %iota3A, %mul3A_5 : vector<16xi32>
    %mul3A_7 = arith.constant 258 : i32
    %mul3A_8 = vector.broadcast %mul3A_7 : i32 to vector<16xi32>
    %mul3A_9 = arith.muli %iota3A, %mul3A_8 : vector<16xi32>
    %broadcast_in_dim3A = arith.constant 0.000000e+00 : f32
    %broadcast_in_dim3A_10 = vector.broadcast %broadcast_in_dim3A : f32 to vector<16xf32>
    %broadcast_in_dim3A_11 = arith.constant 0 : i32
    %broadcast_in_dim3A_12 = vector.broadcast %broadcast_in_dim3A_11 : i32 to vector<16xi32>
    %broadcast_in_dim3A_13 = arith.constant 1 : i32
    %broadcast_in_dim3A_14 = vector.broadcast %broadcast_in_dim3A_13 : i32 to vector<16xi32>
    %parallel_loop3A = arith.constant 0 : i32
    %parallel_loop3A_15 = arith.constant 4128 : i32
    %parallel_loop3A_16 = arith.constant 16 : i32
    scf.for %parallel_loop3A_23 = %parallel_loop3A to %parallel_loop3A_15 step %parallel_loop3A_16  : i32 {
      %parallel_loop3A_24 = arith.index_cast %parallel_loop3A_23 : i32 to index
      %parallel_loop3A_25 = tpu.vector_load %arg15[%parallel_loop3A_24] {strides = array<i32>} : memref<4128xi32, #tpu.memory_space<vmem>>, vector<16xi32>,
      tpu.vector_store %arg15[%parallel_loop3A_24], %broadcast_in_dim3A_12 {strides = array<i32>} : memref<4128xi32, #tpu.memory_space<vmem>>, vector<16xi32>,
    } {sc.loop_unroll_factor = 4 : i64, sc.parallel_access}
    %scan3A = arith.constant 0 : i32
    %scan3A_17 = arith.constant 0 : i32
    %scan3A_18 = arith.constant 128 : i32
    %scan3A_19 = arith.addi %scan3A_17, %scan3A_18 : i32
    %scan3A_20 = arith.constant 1 : i32
    %scan3A_21 = scf.for %scan3A_23 = %scan3A_17 to %scan3A_19 step %scan3A_20 iter_args(%scan3A_24 = %scan3A) -> (i32)  : i32 {
      %mul3A_25 = arith.constant 128 : i32
      %mul3A_26 = arith.muli %add3A, %mul3A_25 : i32
      %add3A_27 = arith.addi %mul3A_26, %scan3A_23 : i32
      %mul3A_28 = arith.constant 2048 : i32
      %mul3A_29 = arith.muli %add3A_27, %mul3A_28 : i32
      "tpu.region"() ({
        %run_scoped3A = tpu.sem_alloc : memref<!tpu.dma_semaphore, #tpu.memory_space<semaphore_mem>>
        %dma_start3A = tpu.memref_slice %arg2[%mul3A_29] : memref<8388608xf32, #tpu.memory_space<hbm>> -> memref<2048xf32, #tpu.memory_space<hbm>>
        %dma_start3A_75 = tpu.memref_slice %arg2[%mul3A_29] : memref<8388608xf32, #tpu.memory_space<hbm>> -> memref<2048xf32, #tpu.memory_space<hbm>>
        tpu.enqueue_dma source(%dma_start3A_75 : memref<2048xf32, #tpu.memory_space<hbm>>) target(%arg7 : memref<2048xf32, #tpu.memory_space<vmem>>) target_semaphore(%run_scoped3A : memref<!tpu.dma_semaphore, #tpu.memory_space<semaphore_mem>>)
        %dma_wait3A = tpu.memref_slice %arg2[%mul3A_29] : memref<8388608xf32, #tpu.memory_space<hbm>> -> memref<2048xf32, #tpu.memory_space<hbm>>
        %dma_wait3A_76 = tpu.memref_slice %arg2[%mul3A_29] : memref<8388608xf32, #tpu.memory_space<hbm>> -> memref<2048xf32, #tpu.memory_space<hbm>>
        tpu.wait_dma2 semaphore(%run_scoped3A : memref<!tpu.dma_semaphore, #tpu.memory_space<semaphore_mem>>) src(%dma_wait3A_76 : memref<2048xf32, #tpu.memory_space<hbm>>) dst(%arg7 : memref<2048xf32, #tpu.memory_space<vmem>>)
        tpu.yield
      }) : () -> ()
      %mul3A_30 = arith.constant 2064 : i32
      %mul3A_31 = arith.muli %add3A_27, %mul3A_30 : i32
      "tpu.region"() ({
        %run_scoped3A = tpu.sem_alloc : memref<!tpu.dma_semaphore, #tpu.memory_space<semaphore_mem>>
        %dma_start3A = tpu.memref_slice %arg3[%mul3A_31] : memref<8454144xf32, #tpu.memory_space<hbm>> -> memref<2064xf32, #tpu.memory_space<hbm>>
        %dma_start3A_75 = tpu.memref_slice %arg3[%mul3A_31] : memref<8454144xf32, #tpu.memory_space<hbm>> -> memref<2064xf32, #tpu.memory_space<hbm>>
        tpu.enqueue_dma source(%dma_start3A_75 : memref<2064xf32, #tpu.memory_space<hbm>>) target(%arg8 : memref<2064xf32, #tpu.memory_space<vmem>>) target_semaphore(%run_scoped3A : memref<!tpu.dma_semaphore, #tpu.memory_space<semaphore_mem>>)
        %dma_wait3A = tpu.memref_slice %arg3[%mul3A_31] : memref<8454144xf32, #tpu.memory_space<hbm>> -> memref<2064xf32, #tpu.memory_space<hbm>>
        %dma_wait3A_76 = tpu.memref_slice %arg3[%mul3A_31] : memref<8454144xf32, #tpu.memory_space<hbm>> -> memref<2064xf32, #tpu.memory_space<hbm>>
        tpu.wait_dma2 semaphore(%run_scoped3A : memref<!tpu.dma_semaphore, #tpu.memory_space<semaphore_mem>>) src(%dma_wait3A_76 : memref<2064xf32, #tpu.memory_space<hbm>>) dst(%arg8 : memref<2064xf32, #tpu.memory_space<vmem>>)
        tpu.yield
      }) : () -> ()
      %mul3A_32 = arith.constant 16 : i32
      %mul3A_33 = arith.muli %add3A_27, %mul3A_32 : i32
      "tpu.region"() ({
        %run_scoped3A = tpu.sem_alloc : memref<!tpu.dma_semaphore, #tpu.memory_space<semaphore_mem>>
        %dma_start3A = tpu.memref_slice %arg4[%mul3A_33] : memref<65536xf32, #tpu.memory_space<hbm>> -> memref<16xf32, #tpu.memory_space<hbm>>
        %dma_start3A_75 = tpu.memref_slice %arg4[%mul3A_33] : memref<65536xf32, #tpu.memory_space<hbm>> -> memref<16xf32, #tpu.memory_space<hbm>>
        tpu.enqueue_dma source(%dma_start3A_75 : memref<16xf32, #tpu.memory_space<hbm>>) target(%arg9 : memref<16xf32, #tpu.memory_space<vmem>>) target_semaphore(%run_scoped3A : memref<!tpu.dma_semaphore, #tpu.memory_space<semaphore_mem>>)
        %dma_wait3A = tpu.memref_slice %arg4[%mul3A_33] : memref<65536xf32, #tpu.memory_space<hbm>> -> memref<16xf32, #tpu.memory_space<hbm>>
        %dma_wait3A_76 = tpu.memref_slice %arg4[%mul3A_33] : memref<65536xf32, #tpu.memory_space<hbm>> -> memref<16xf32, #tpu.memory_space<hbm>>
        tpu.wait_dma2 semaphore(%run_scoped3A : memref<!tpu.dma_semaphore, #tpu.memory_space<semaphore_mem>>) src(%dma_wait3A_76 : memref<16xf32, #tpu.memory_space<hbm>>) dst(%arg9 : memref<16xf32, #tpu.memory_space<vmem>>)
        tpu.yield
      }) : () -> ()
      %mul3A_34 = arith.constant 16 : i32
      %mul3A_35 = arith.muli %add3A_27, %mul3A_34 : i32
      "tpu.region"() ({
        %run_scoped3A = tpu.sem_alloc : memref<!tpu.dma_semaphore, #tpu.memory_space<semaphore_mem>>
        %dma_start3A = tpu.memref_slice %arg5[%mul3A_35] : memref<65536xf32, #tpu.memory_space<hbm>> -> memref<16xf32, #tpu.memory_space<hbm>>
        %dma_start3A_75 = tpu.memref_slice %arg5[%mul3A_35] : memref<65536xf32, #tpu.memory_space<hbm>> -> memref<16xf32, #tpu.memory_space<hbm>>
        tpu.enqueue_dma source(%dma_start3A_75 : memref<16xf32, #tpu.memory_space<hbm>>) target(%arg10 : memref<16xf32, #tpu.memory_space<vmem>>) target_semaphore(%run_scoped3A : memref<!tpu.dma_semaphore, #tpu.memory_space<semaphore_mem>>)
        %dma_wait3A = tpu.memref_slice %arg5[%mul3A_35] : memref<65536xf32, #tpu.memory_space<hbm>> -> memref<16xf32, #tpu.memory_space<hbm>>
        %dma_wait3A_76 = tpu.memref_slice %arg5[%mul3A_35] : memref<65536xf32, #tpu.memory_space<hbm>> -> memref<16xf32, #tpu.memory_space<hbm>>
        tpu.wait_dma2 semaphore(%run_scoped3A : memref<!tpu.dma_semaphore, #tpu.memory_space<semaphore_mem>>) src(%dma_wait3A_76 : memref<16xf32, #tpu.memory_space<hbm>>) dst(%arg10 : memref<16xf32, #tpu.memory_space<vmem>>)
        tpu.yield
      }) : () -> ()
      %parallel_loop3A_36 = arith.constant 0 : i32
      %parallel_loop3A_37 = arith.constant 128 : i32
      %parallel_loop3A_38 = arith.constant 1 : i32
      %parallel_loop3A_39 = scf.for %parallel_loop3A_75 = %parallel_loop3A_36 to %parallel_loop3A_37 step %parallel_loop3A_38 iter_args(%parallel_loop3A_76 = %broadcast_in_dim3A_10) -> (vector<16xf32>)  : i32 {
        %parallel_loop3A_77 = vector.broadcast %parallel_loop3A_75 : i32 to vector<16xi32>
        %parallel_loop3A_78 = arith.addi %mul3A_3, %parallel_loop3A_77 : vector<16xi32>
        %parallel_loop3A_79 = tpu.vector_load_idx %arg7[%parallel_loop3A_78] : memref<2048xf32, #tpu.memory_space<vmem>>[vector<16xi32>], vector<16xf32>,
        %parallel_loop3A_80 = arith.constant 0.00999999977 : f32
        %parallel_loop3A_81 = vector.broadcast %parallel_loop3A_80 : f32 to vector<16xf32>
        %parallel_loop3A_82 = arith.addf %parallel_loop3A_79, %parallel_loop3A_81 : vector<16xf32>
        %parallel_loop3A_83 = arith.addf %parallel_loop3A_76, %parallel_loop3A_82 : vector<16xf32>
        %parallel_loop3A_84 = vector.broadcast %parallel_loop3A_75 : i32 to vector<16xi32>
        %parallel_loop3A_85 = arith.addi %mul3A_3, %parallel_loop3A_84 : vector<16xi32>
        tpu.vector_store_idx %arg11[%parallel_loop3A_85], %parallel_loop3A_83 : memref<2048xf32, #tpu.memory_space<vmem>>[vector<16xi32>], vector<16xf32>,
        scf.yield %parallel_loop3A_83 : vector<16xf32>
      } {sc.loop_unroll_factor = 8 : i64, sc.parallel_access}
      %sub3A = arith.constant 9.99999974E-6 : f32
      %sub3A_40 = vector.broadcast %sub3A : f32 to vector<16xf32>
      %sub3A_41 = arith.subf %sub3A_40, %parallel_loop3A_39 : vector<16xf32>
      %max3A = arith.constant 0.000000e+00 : f32
      %max3A_42 = vector.broadcast %max3A : f32 to vector<16xf32>
      %max3A_43 = arith.maximumf %sub3A_41, %max3A_42 : vector<16xf32>
      %add3A_44 = arith.addf %parallel_loop3A_39, %max3A_43 : vector<16xf32>
      %div3A = arith.constant 1.000000e+00 : f32
      %div3A_45 = vector.broadcast %div3A : f32 to vector<16xf32>
      %div3A_46 = arith.divf %div3A_45, %add3A_44 : vector<16xf32>
      %mul3A_47 = arith.constant 7.812500e-03 : f32
      %mul3A_48 = vector.broadcast %mul3A_47 : f32 to vector<16xf32>
      %mul3A_49 = arith.mulf %max3A_43, %mul3A_48 : vector<16xf32>
      %add3A_50 = arith.constant 128 : i32
      %add3A_51 = vector.broadcast %add3A_50 : i32 to vector<16xi32>
      %add3A_52 = arith.addi %mul3A_6, %add3A_51 : vector<16xi32>
      tpu.vector_store_idx %arg12[%add3A_52], %broadcast_in_dim3A_10 : memref<2064xf32, #tpu.memory_space<vmem>>[vector<16xi32>], vector<16xf32>,
      %add3A_53 = arith.constant 128 : i32
      %add3A_54 = vector.broadcast %add3A_53 : i32 to vector<16xi32>
      %add3A_55 = arith.addi %mul3A_6, %add3A_54 : vector<16xi32>
      tpu.vector_store_idx %arg13[%add3A_55], %broadcast_in_dim3A_10 : memref<2064xf32, #tpu.memory_space<vmem>>[vector<16xi32>], vector<16xf32>,
      %add3A_56 = arith.constant 128 : i32
      %add3A_57 = vector.broadcast %add3A_56 : i32 to vector<16xi32>
      %add3A_58 = arith.addi %mul3A_6, %add3A_57 : vector<16xi32>
      tpu.vector_store_idx %arg14[%add3A_58], %broadcast_in_dim3A_10 : memref<2064xf32, #tpu.memory_space<vmem>>[vector<16xi32>], vector<16xf32>,
      tpu.vector_store_idx %arg15[%mul3A_9], %broadcast_in_dim3A_14 : memref<4128xi32, #tpu.memory_space<vmem>>[vector<16xi32>], vector<16xi32>,
      %parallel_loop3A_59 = arith.constant 0 : i32
      %parallel_loop3A_60 = arith.constant 128 : i32
      %parallel_loop3A_61 = arith.constant 1 : i32
      scf.for %parallel_loop3A_75 = %parallel_loop3A_59 to %parallel_loop3A_60 step %parallel_loop3A_61  : i32 {
        %parallel_loop3A_76 = vector.broadcast %parallel_loop3A_75 : i32 to vector<16xi32>
        %parallel_loop3A_77 = arith.addi %mul3A_3, %parallel_loop3A_76 : vector<16xi32>
        %parallel_loop3A_78 = tpu.vector_load_idx %arg11[%parallel_loop3A_77] : memref<2048xf32, #tpu.memory_space<vmem>>[vector<16xi32>], vector<16xf32>,
        %parallel_loop3A_79 = arith.constant 1 : i32
        %parallel_loop3A_80 = arith.subi %parallel_loop3A_75, %parallel_loop3A_79 : i32
        %parallel_loop3A_81 = arith.constant 0 : i32
        %parallel_loop3A_82 = arith.maxsi %parallel_loop3A_80, %parallel_loop3A_81 : i32
        %parallel_loop3A_83 = vector.broadcast %parallel_loop3A_82 : i32 to vector<16xi32>
        %parallel_loop3A_84 = arith.addi %mul3A_3, %parallel_loop3A_83 : vector<16xi32>
        %parallel_loop3A_85 = tpu.vector_load_idx %arg11[%parallel_loop3A_84] : memref<2048xf32, #tpu.memory_space<vmem>>[vector<16xi32>], vector<16xf32>,
        %parallel_loop3A_86 = arith.sitofp %parallel_loop3A_75 : i32 to f32
        %parallel_loop3A_87 = arith.constant 1.000000e+00 : f32
        %parallel_loop3A_88 = arith.addf %parallel_loop3A_86, %parallel_loop3A_87 : f32
        %parallel_loop3A_89 = vector.broadcast %parallel_loop3A_88 : f32 to vector<16xf32>
        %parallel_loop3A_90 = arith.mulf %parallel_loop3A_89, %mul3A_49 : vector<16xf32>
        %parallel_loop3A_91 = arith.addf %parallel_loop3A_78, %parallel_loop3A_90 : vector<16xf32>
        %parallel_loop3A_92 = arith.mulf %parallel_loop3A_91, %div3A_46 : vector<16xf32>
        %parallel_loop3A_93 = arith.constant 1.000000e+00 : f32
        %parallel_loop3A_94 = vector.broadcast %parallel_loop3A_93 : f32 to vector<16xf32>
        %parallel_loop3A_95 = arith.minimumf %parallel_loop3A_94, %parallel_loop3A_92 : vector<16xf32>
        %parallel_loop3A_96 = arith.constant 0 : i32
        %parallel_loop3A_97 = arith.cmpi eq, %parallel_loop3A_75, %parallel_loop3A_96 : i32
        %parallel_loop3A_98 = vector.broadcast %parallel_loop3A_86 : f32 to vector<16xf32>
        %parallel_loop3A_99 = arith.mulf %parallel_loop3A_98, %mul3A_49 : vector<16xf32>
        %parallel_loop3A_100 = arith.addf %parallel_loop3A_85, %parallel_loop3A_99 : vector<16xf32>
        %parallel_loop3A_101 = arith.mulf %parallel_loop3A_100, %div3A_46 : vector<16xf32>
        %parallel_loop3A_102 = arith.constant 1.000000e+00 : f32
        %parallel_loop3A_103 = vector.broadcast %parallel_loop3A_102 : f32 to vector<16xf32>
        %parallel_loop3A_104 = arith.minimumf %parallel_loop3A_103, %parallel_loop3A_101 : vector<16xf32>
        %parallel_loop3A_105 = arith.constant 0.000000e+00 : f32
        %parallel_loop3A_106 = vector.broadcast %parallel_loop3A_105 : f32 to vector<16xf32>
        %parallel_loop3A_107 = arith.select %parallel_loop3A_97, %parallel_loop3A_106, %parallel_loop3A_104 : vector<16xf32>
        %parallel_loop3A_108 = arith.subf %parallel_loop3A_95, %parallel_loop3A_107 : vector<16xf32>
        %parallel_loop3A_109 = arith.constant 0.000000e+00 : f32
        %parallel_loop3A_110 = vector.broadcast %parallel_loop3A_109 : f32 to vector<16xf32>
        %parallel_loop3A_111 = arith.cmpf ogt, %parallel_loop3A_108, %parallel_loop3A_110 : vector<16xf32>
        %parallel_loop3A_112 = arith.constant 1.000000e+00 : f32
        %parallel_loop3A_113 = vector.broadcast %parallel_loop3A_112 : f32 to vector<16xf32>
        %parallel_loop3A_114 = arith.divf %parallel_loop3A_113, %parallel_loop3A_108 : vector<16xf32>
        %parallel_loop3A_115 = arith.constant 0.000000e+00 : f32
        %parallel_loop3A_116 = vector.broadcast %parallel_loop3A_115 : f32 to vector<16xf32>
        %parallel_loop3A_117 = arith.select %parallel_loop3A_111, %parallel_loop3A_114, %parallel_loop3A_116 : vector<16xi1>, vector<16xf32>
        %parallel_loop3A_118 = arith.mulf %parallel_loop3A_107, %parallel_loop3A_117 : vector<16xf32>
        %parallel_loop3A_119 = vector.broadcast %parallel_loop3A_75 : i32 to vector<16xi32>
        %parallel_loop3A_120 = arith.addi %mul3A_6, %parallel_loop3A_119 : vector<16xi32>
        %parallel_loop3A_121 = tpu.vector_load_idx %arg8[%parallel_loop3A_120] : memref<2064xf32, #tpu.memory_space<vmem>>[vector<16xi32>], vector<16xf32>,
        %parallel_loop3A_122 = vector.broadcast %parallel_loop3A_75 : i32 to vector<16xi32>
        %parallel_loop3A_123 = arith.addi %mul3A_6, %parallel_loop3A_122 : vector<16xi32>
        %parallel_loop3A_124 = arith.constant 1 : i32
        %parallel_loop3A_125 = vector.broadcast %parallel_loop3A_124 : i32 to vector<16xi32>
        %parallel_loop3A_126 = arith.addi %parallel_loop3A_123, %parallel_loop3A_125 : vector<16xi32>
        %parallel_loop3A_127 = tpu.vector_load_idx %arg8[%parallel_loop3A_126] : memref<2064xf32, #tpu.memory_space<vmem>>[vector<16xi32>], vector<16xf32>,
        %parallel_loop3A_128 = arith.constant 1.290000e+02 : f32
        %parallel_loop3A_129 = vector.broadcast %parallel_loop3A_128 : f32 to vector<16xf32>
        %parallel_loop3A_130 = arith.mulf %parallel_loop3A_95, %parallel_loop3A_129 : vector<16xf32>
        %parallel_loop3A_131 = arith.constant 5.000000e-01 : f32
        %parallel_loop3A_132 = vector.broadcast %parallel_loop3A_131 : f32 to vector<16xf32>
        %parallel_loop3A_133 = arith.subf %parallel_loop3A_130, %parallel_loop3A_132 : vector<16xf32>
        %parallel_loop3A_134 = arith.constant 0.000000e+00 : f32
        %parallel_loop3A_135 = vector.broadcast %parallel_loop3A_134 : f32 to vector<16xf32>
        %parallel_loop3A_136 = arith.maximumf %parallel_loop3A_133, %parallel_loop3A_135 : vector<16xf32>
        %parallel_loop3A_137 = arith.fptosi %parallel_loop3A_136 : vector<16xf32> to vector<16xi32>
        %parallel_loop3A_138 = arith.sitofp %parallel_loop3A_137 : vector<16xi32> to vector<16xf32>
        %parallel_loop3A_139 = arith.cmpf olt, %parallel_loop3A_138, %parallel_loop3A_136 : vector<16xf32>
        %parallel_loop3A_140 = arith.extui %parallel_loop3A_139 : vector<16xi1> to vector<16xi32>
        %parallel_loop3A_141 = arith.addi %parallel_loop3A_137, %parallel_loop3A_140 : vector<16xi32>
        %parallel_loop3A_142 = arith.constant 129 : i32
        %parallel_loop3A_143 = vector.broadcast %parallel_loop3A_142 : i32 to vector<16xi32>
        %parallel_loop3A_144 = arith.minsi %parallel_loop3A_141, %parallel_loop3A_143 : vector<16xi32>
        %parallel_loop3A_145 = vector.broadcast %parallel_loop3A_75 : i32 to vector<16xi32>
        %parallel_loop3A_146 = arith.addi %mul3A_6, %parallel_loop3A_145 : vector<16xi32>
        %parallel_loop3A_147 = arith.subf %parallel_loop3A_127, %parallel_loop3A_121 : vector<16xf32>
        tpu.vector_store_idx %arg12[%parallel_loop3A_146], %parallel_loop3A_147 : memref<2064xf32, #tpu.memory_space<vmem>>[vector<16xi32>], vector<16xf32>,
        %parallel_loop3A_148 = vector.broadcast %parallel_loop3A_75 : i32 to vector<16xi32>
        %parallel_loop3A_149 = arith.addi %mul3A_6, %parallel_loop3A_148 : vector<16xi32>
        tpu.vector_store_idx %arg13[%parallel_loop3A_149], %parallel_loop3A_117 : memref<2064xf32, #tpu.memory_space<vmem>>[vector<16xi32>], vector<16xf32>,
        %parallel_loop3A_150 = vector.broadcast %parallel_loop3A_75 : i32 to vector<16xi32>
        %parallel_loop3A_151 = arith.addi %mul3A_6, %parallel_loop3A_150 : vector<16xi32>
        tpu.vector_store_idx %arg14[%parallel_loop3A_151], %parallel_loop3A_118 : memref<2064xf32, #tpu.memory_space<vmem>>[vector<16xi32>], vector<16xf32>,
        %parallel_loop3A_152 = vector.broadcast %parallel_loop3A_75 : i32 to vector<16xi32>
        %parallel_loop3A_153 = arith.addi %mul3A_9, %parallel_loop3A_152 : vector<16xi32>
        %parallel_loop3A_154 = arith.constant 1 : i32
        %parallel_loop3A_155 = vector.broadcast %parallel_loop3A_154 : i32 to vector<16xi32>
        %parallel_loop3A_156 = arith.addi %parallel_loop3A_153, %parallel_loop3A_155 : vector<16xi32>
        %parallel_loop3A_157 = arith.addi %parallel_loop3A_156, %parallel_loop3A_144 : vector<16xi32>
        tpu.vector_store_idx %arg15[%parallel_loop3A_157], %broadcast_in_dim3A_14 : memref<4128xi32, #tpu.memory_space<vmem>>[vector<16xi32>], vector<16xi32>,
      } {sc.loop_unroll_factor = 4 : i64, sc.parallel_access}
      %get3A = arith.constant 0 : index
      %get3A_62 = tpu.vector_load %arg9[%get3A] {strides = array<i32>} : memref<16xf32, #tpu.memory_space<vmem>>, vector<16xf32>,
      %get3A_63 = arith.constant 0 : index
      %get3A_64 = tpu.vector_load %arg10[%get3A_63] {strides = array<i32>} : memref<16xf32, #tpu.memory_space<vmem>>, vector<16xf32>,
      %sub3A_65 = arith.subf %get3A_64, %get3A_62 : vector<16xf32>
      %broadcast_in_dim3A_66 = arith.constant -1 : i32
      %broadcast_in_dim3A_67 = vector.broadcast %broadcast_in_dim3A_66 : i32 to vector<16xi32>
      %parallel_loop3A_68 = arith.constant 0 : i32
      %parallel_loop3A_69 = arith.constant 258 : i32
      %parallel_loop3A_70 = arith.constant 1 : i32
      %parallel_loop3A_71 = scf.for %parallel_loop3A_75 = %parallel_loop3A_68 to %parallel_loop3A_69 step %parallel_loop3A_70 iter_args(%parallel_loop3A_76 = %broadcast_in_dim3A_67) -> (vector<16xi32>)  : i32 {
        %parallel_loop3A_77 = vector.broadcast %parallel_loop3A_75 : i32 to vector<16xi32>
        %parallel_loop3A_78 = arith.addi %mul3A_9, %parallel_loop3A_77 : vector<16xi32>
        %parallel_loop3A_79 = tpu.vector_load_idx %arg15[%parallel_loop3A_78] : memref<4128xi32, #tpu.memory_space<vmem>>[vector<16xi32>], vector<16xi32>,
        %parallel_loop3A_80 = vector.broadcast %parallel_loop3A_75 : i32 to vector<16xi32>
        %parallel_loop3A_81 = arith.addi %mul3A_9, %parallel_loop3A_80 : vector<16xi32>
        tpu.vector_store_idx %arg15[%parallel_loop3A_81], %broadcast_in_dim3A_12 : memref<4128xi32, #tpu.memory_space<vmem>>[vector<16xi32>], vector<16xi32>,
        %parallel_loop3A_82 = arith.addi %parallel_loop3A_76, %parallel_loop3A_79 : vector<16xi32>
        %parallel_loop3A_83 = arith.addi %mul3A_6, %parallel_loop3A_82 : vector<16xi32>
        %parallel_loop3A_84 = tpu.vector_load_idx %arg8[%parallel_loop3A_83] : memref<2064xf32, #tpu.memory_space<vmem>>[vector<16xi32>], vector<16xf32>,
        %parallel_loop3A_85 = arith.addi %mul3A_6, %parallel_loop3A_82 : vector<16xi32>
        %parallel_loop3A_86 = tpu.vector_load_idx %arg12[%parallel_loop3A_85] : memref<2064xf32, #tpu.memory_space<vmem>>[vector<16xi32>], vector<16xf32>,
        %parallel_loop3A_87 = arith.addi %mul3A_6, %parallel_loop3A_82 : vector<16xi32>
        %parallel_loop3A_88 = tpu.vector_load_idx %arg13[%parallel_loop3A_87] : memref<2064xf32, #tpu.memory_space<vmem>>[vector<16xi32>], vector<16xf32>,
        %parallel_loop3A_89 = arith.addi %mul3A_6, %parallel_loop3A_82 : vector<16xi32>
        %parallel_loop3A_90 = tpu.vector_load_idx %arg14[%parallel_loop3A_89] : memref<2064xf32, #tpu.memory_space<vmem>>[vector<16xi32>], vector<16xf32>,
        %parallel_loop3A_91 = vector.broadcast %parallel_loop3A_75 : i32 to vector<16xi32>
        %parallel_loop3A_92 = arith.subi %parallel_loop3A_91, %parallel_loop3A_82 : vector<16xi32>
        %parallel_loop3A_93 = arith.sitofp %parallel_loop3A_92 : vector<16xi32> to vector<16xf32>
        %parallel_loop3A_94 = arith.constant 5.000000e-01 : f32
        %parallel_loop3A_95 = vector.broadcast %parallel_loop3A_94 : f32 to vector<16xf32>
        %parallel_loop3A_96 = arith.subf %parallel_loop3A_93, %parallel_loop3A_95 : vector<16xf32>
        %parallel_loop3A_97 = arith.constant 0.00775193795 : f32
        %parallel_loop3A_98 = vector.broadcast %parallel_loop3A_97 : f32 to vector<16xf32>
        %parallel_loop3A_99 = arith.mulf %parallel_loop3A_96, %parallel_loop3A_98 : vector<16xf32>
        %parallel_loop3A_100 = arith.mulf %parallel_loop3A_99, %parallel_loop3A_88 : vector<16xf32>
        %parallel_loop3A_101 = arith.subf %parallel_loop3A_100, %parallel_loop3A_90 : vector<16xf32>
        %parallel_loop3A_102 = arith.constant 0.000000e+00 : f32
        %parallel_loop3A_103 = vector.broadcast %parallel_loop3A_102 : f32 to vector<16xf32>
        %parallel_loop3A_104 = arith.maximumf %parallel_loop3A_101, %parallel_loop3A_103 : vector<16xf32>
        %parallel_loop3A_105 = arith.mulf %parallel_loop3A_104, %parallel_loop3A_86 : vector<16xf32>
        %parallel_loop3A_106 = arith.addf %parallel_loop3A_84, %parallel_loop3A_105 : vector<16xf32>
        %parallel_loop3A_107 = arith.mulf %parallel_loop3A_106, %sub3A_65 : vector<16xf32>
        %parallel_loop3A_108 = arith.addf %parallel_loop3A_107, %get3A_62 : vector<16xf32>
        %parallel_loop3A_109 = vector.broadcast %parallel_loop3A_75 : i32 to vector<16xi32>
        %parallel_loop3A_110 = arith.addi %mul3A_9, %parallel_loop3A_109 : vector<16xi32>
        tpu.vector_store_idx %arg16[%parallel_loop3A_110], %parallel_loop3A_108 : memref<4128xf32, #tpu.memory_space<vmem>>[vector<16xi32>], vector<16xf32>,
        scf.yield %parallel_loop3A_82 : vector<16xi32>
      } {sc.loop_unroll_factor = 6 : i64, sc.parallel_access}
      %mul3A_72 = arith.constant 4128 : i32
      %mul3A_73 = arith.muli %add3A_27, %mul3A_72 : i32
      "tpu.region"() ({
        %run_scoped3A = tpu.sem_alloc : memref<!tpu.dma_semaphore, #tpu.memory_space<semaphore_mem>>
        %dma_start3A = tpu.memref_slice %arg6[%mul3A_73] : memref<16908288xf32, #tpu.memory_space<hbm>> -> memref<4128xf32, #tpu.memory_space<hbm>>
        %dma_start3A_75 = tpu.memref_slice %arg6[%mul3A_73] : memref<16908288xf32, #tpu.memory_space<hbm>> -> memref<4128xf32, #tpu.memory_space<hbm>>
        tpu.enqueue_dma source(%arg16 : memref<4128xf32, #tpu.memory_space<vmem>>) target(%dma_start3A_75 : memref<4128xf32, #tpu.memory_space<hbm>>) target_semaphore(%run_scoped3A : memref<!tpu.dma_semaphore, #tpu.memory_space<semaphore_mem>>)
        %dma_wait3A = tpu.memref_slice %arg6[%mul3A_73] : memref<16908288xf32, #tpu.memory_space<hbm>> -> memref<4128xf32, #tpu.memory_space<hbm>>
        %dma_wait3A_76 = tpu.memref_slice %arg6[%mul3A_73] : memref<16908288xf32, #tpu.memory_space<hbm>> -> memref<4128xf32, #tpu.memory_space<hbm>>
        tpu.wait_dma2 semaphore(%run_scoped3A : memref<!tpu.dma_semaphore, #tpu.memory_space<semaphore_mem>>) src(%arg16 : memref<4128xf32, #tpu.memory_space<vmem>>) dst(%dma_wait3A_76 : memref<4128xf32, #tpu.memory_space<hbm>>)
        tpu.yield
      }) : () -> ()
      %scan3A_74 = arith.constant 0 : i32
      scf.yield %scan3A_74 : i32
    }
    %scan3A_22 = arith.constant 128 : i32
    return
  }
}

</mosaic_0001>

<sc_bundles>
// kernel: error_bounded_sampler_sc.3.cloned.1.call-start
scs
__scs_entry_jumppad:
0x0: {  	(pc) =	sbr.rel $0x88, $3  }
0x1: {  	(tag) =	ssettag $0x0;
	lr =	simm.s32 $0x1  }
0x2: {  	[smem:$0x3F9D] =	sst lr;
	_ =	strace $0xD0000000  }
0x3: {  	_ = 	snop  }
0x4: {  	_ = 	snop  }
0x5: {  	_ = 	snop  }
0x6: {  	_ = 	snop  }
0x7: {  	_ = 	snop  }
__scs_overlays_trampoline_lowered:
0x8: {  	[smem:$0x3FAC] =	sst s0  }
0x9: {  	[smem:$0x3FAD] =	sst s1  }
0xa: {  	[smem:$0x3FAE] =	sst s2  }
0xb: {  	[smem:$0x3FAF] =	sst s3  }
0xc: {  	[smem:$0x3FB0] =	sst s4  }
0xd: {  	[smem:$0x3FB1] =	sst s5  }
0xe: {  	[smem:$0x3FB2] =	sst s6  }
0xf: {  	[smem:$0x3FB3] =	sst s7  }
0x10: {  	[smem:$0x3FB4] =	sst s8  }
0x11: {  	[smem:$0x3FB5] =	sst s9;
	s0 =	simm.s32 @!p0 $0x0  }
0x12: {  	s1 =	sld [smem:$0x3F9B];
	s0 =	simm.s32 @p0 $0x1  }
0x13: {  	[smem:$0x3FB6] =	sst s0;
	s0 =	simm.s32 @!p1 $0x0  }
0x14: {  	s2 =	sld [smem:$0x3F9A];
	s0 =	simm.s32 @p1 $0x1  }
0x15: {  	[smem:$0x3FB7] =	sst s0;
	s0 =	simm.s32 @!p2 $0x0  }
0x16: {  	s3 =	sld [smem:$0x3FDB];
	s0 =	simm.s32 @p2 $0x1  }
0x17: {  	s4 =	simm.s32 $0x1BF5;
	[smem:$0x3FB9] =	sst s0  }
0x18: {  	s0 =	sld [smem:$0x3F9C];
	_ =	swait.ge [sflag:s4], $0x0  }
0x19: {  	s7 =	sld [smem:$0x3F9D]  }
0x1a: {  	s8 =	sadd.s32 $0xFFFFE003, lr  }
0x1b: {  	s9 =	sadd.s32 $0xFFFFFEF7, lr;
	s5 =	simm.s32 $0xFFFFFFFF;
	p2 =	slt.u32 s8, $0xFFFFF086  }
0x1c: {  	p1 =	slt.u32 s9, $0xF7A;
	s5 =	simm.s32 @!p2 $0x0  }
0x1d: {  	s5 =	simm.s32 @p1 $0x1;
	p0 =	seq.s32 s7, s2  }
0x1e: {  	s7 =	smul.u32 @!p0 $0xF7A, s2;
	p2 =	seq.s32 @!p0 s5, $0x0  }
0x1f: {  	s9 =	smul.u32 $0xF7A, s1;
	s8 =	simm.s32 @!p0 $0x1BF5;
	p2 =	por !p2, p0  }
0x20: {  	[sflag:s8] =	ssyncset.s32 @!p0 $0xFFFFF086;
	s6 =	sadd.s32 @!p0 s3, s7;
	s7 =	simm.s32 @!p0 $0x108  }
0x21: {  	s3 =	sadd.s32 s3, s9;
	s6 =	sadd.s32 @!p0 $0x88, s6;
	s7 =	simm.s32 @p2 $0x1082  }
0x22: {  	[simem:s7], [sflag:s8] =	dma.local @!p0 [hbm:s6], $0xF7A  }
0x23: {  	s9 =	sor.u32 $0xD0000000, s2;
	s6 =	simm.s32 $0x108;
	_ =	swait.ge @!p0 [sflag:s8], $0x0  }
0x24: {  	s3 =	sadd.s32 $0x88, s3;
	s6 =	simm.s32 @!p1 $0x1082;
	[sflag:s4] =	ssyncset.s32 $0xFFFFF086  }
0x25: {  	[simem:s6], [sflag:s4] =	dma.local [hbm:s3], $0xF7A  }
0x26: {  	[smem:$0x3F9D] =	sst s1;
	(tag) =	ssettag s2;
	_ =	strace s9  }
0x27: {  	s1 =	sld [smem:$0x3FAD]  }
0x28: {  	s2 =	sld [smem:$0x3FAE]  }
0x29: {  	s4 =	sld [smem:$0x3FB0]  }
0x2a: {  	p0 =	seq.s32 s5, $0x0;
	s5 =	sld [smem:$0x3FB1]  }
0x2b: {  	s6 =	sld [smem:$0x3FB2]  }
0x2c: {  	s7 =	sld [smem:$0x3FB3]  }
0x2d: {  	s3 =	simm.s32 $0x108;
	s8 =	sld [smem:$0x3FB4]  }
0x2e: {  	s3 =	simm.s32 @!p0 $0x1082;
	s9 =	sld [smem:$0x3FB5]  }
0x2f: {  	lr =	sadd.s32 s0, s3;
	s0 =	sld [smem:$0x3FAC]  }
0x30: {  	s3 =	sld [smem:$0x3FAF]  }
0x31: {  	[smem:$0x3FB8] =	sst s10  }
0x32: {  	s10 =	sld [smem:$0x3FB6];
	_ =	sdelay $0x3  }
0x33: {  	p0 =	seq.s32 s10, $0x1;
	s10 =	sld [smem:$0x3FB8];
	_ =	sdelay $0x3  }
0x34: {  	[smem:$0x3FB8] =	sst s10  }
0x35: {  	s10 =	sld [smem:$0x3FB7];
	_ =	sdelay $0x3  }
0x36: {  	p1 =	seq.s32 s10, $0x1;
	s10 =	sld [smem:$0x3FB8];
	_ =	sdelay $0x3  }
0x37: {  	[smem:$0x3FB8] =	sst s10  }
0x38: {  	s10 =	sld [smem:$0x3FB9]  }
0x39: {  	_ = 	snop;
	(pc) =	sbr.ind lr, $3  }
0x3a: {  	_ = 	snop  }
0x3b: {  	_ = 	snop  }
0x3c: {  	p2 =	seq.s32 s10, $0x1;
	s10 =	sld [smem:$0x3FB8]  }
0x3d: {  	_ =	shalt  }
0x3e: {  	_ =	shalt  }
0x3f: {  	_ =	shalt  }
0x40: {  	_ =	shalt  }
0x41: {  	_ =	shalt  }
0x42: {  	_ =	shalt  }
0x43: {  	_ =	shalt  }
0x44: {  	_ =	shalt  }
0x45: {  	_ =	shalt  }
0x46: {  	_ =	shalt  }
0x47: {  	_ =	shalt  }
0x48: {  	_ =	shalt  }
0x49: {  	_ =	shalt  }
0x4a: {  	_ =	shalt  }
0x4b: {  	_ =	shalt  }
0x4c: {  	_ =	shalt  }
0x4d: {  	_ =	shalt  }
0x4e: {  	_ =	shalt  }
0x4f: {  	_ =	shalt  }
0x50: {  	_ =	shalt  }
0x51: {  	_ =	shalt  }
0x52: {  	_ =	shalt  }
0x53: {  	_ =	shalt  }
0x54: {  	_ =	shalt  }
0x55: {  	_ =	shalt  }
0x56: {  	_ =	shalt  }
0x57: {  	_ =	shalt  }
0x58: {  	_ =	shalt  }
0x59: {  	_ =	shalt  }
0x5a: {  	_ =	shalt  }
0x5b: {  	_ =	shalt  }
0x5c: {  	_ =	shalt  }
0x5d: {  	_ =	shalt  }
0x5e: {  	_ =	shalt  }
0x5f: {  	_ =	shalt  }
0x60: {  	_ =	shalt  }
0x61: {  	_ =	shalt  }
0x62: {  	_ =	shalt  }
0x63: {  	_ =	shalt  }
0x64: {  	_ =	shalt  }
0x65: {  	_ =	shalt  }
0x66: {  	_ =	shalt  }
0x67: {  	_ =	shalt  }
0x68: {  	_ =	shalt  }
0x69: {  	_ =	shalt  }
0x6a: {  	_ =	shalt  }
0x6b: {  	_ =	shalt  }
0x6c: {  	_ =	shalt  }
0x6d: {  	_ =	shalt  }
0x6e: {  	_ =	shalt  }
0x6f: {  	_ =	shalt  }
0x70: {  	_ =	shalt  }
0x71: {  	_ =	shalt  }
0x72: {  	_ =	shalt  }
0x73: {  	_ =	shalt  }
0x74: {  	_ =	shalt  }
0x75: {  	_ =	shalt  }
0x76: {  	_ =	shalt  }
0x77: {  	_ =	shalt  }
0x78: {  	_ =	shalt  }
0x79: {  	_ =	shalt  }
0x7a: {  	_ =	shalt  }
0x7b: {  	_ =	shalt  }
0x7c: {  	_ =	shalt  }
0x7d: {  	_ =	shalt  }
0x7e: {  	_ =	shalt  }
0x7f: {  	_ =	shalt  }
0x80: {  	_ =	shalt  }
0x81: {  	_ =	shalt  }
0x82: {  	_ =	shalt  }
0x83: {  	_ =	shalt  }
0x84: {  	_ =	shalt  }
0x85: {  	_ =	shalt  }
0x86: {  	_ =	shalt  }
0x87: {  	_ =	shalt  }
.Lfunc_end0:
.L_simem_size_0:
called_computation.1_lowered:
.L_overlay_start_0:
0x88: {  	s2 =	sld [smem:$0x3FD9]  }
0x89: {  	s3 =	sld [smem:$0x3FFE];
	_ =	sdelay $0x1  }
0x8a: {  	s1 =	srdreg.scid  }
0x8b: {  	s0 =	sand.u32 $0x1, s1  }
0x8c: {  	s17 =	sshll.u32 s0, $0xA;
	s2 =	sadd.s32 s3, s2  }
0x8d: {  	s2 =	sadd.s32 s2, s17  }
0x8e: {  	[smem:$0x3FC4] =	sst s2  }
0x8f: {  	_ = 	snop  }
0x90: {  	s2 =	sld [smem:$0x3FC9]  }
0x91: {  	s18 =	sld [smem:$0x3FC7]  }
0x92: {  	s4 =	sld [smem:$0x3FC6]  }
0x93: {  	s5 =	sld [smem:$0x3FD0];
	(tm) =	ssettm $0x1  }
0x94: {  	s6 =	sld [smem:$0x3FFB];
	_ =	sdelay $0x3  }
0x95: {  	_ =	strace s6  }
0x96: {  	s6 =	sld [smem:$0x3FFC];
	_ =	sdelay $0x3  }
0x97: {  	_ =	strace s6  }
0x98: {  	s6 =	sld [smem:$0x3FFD];
	_ =	sdelay $0x3  }
0x99: {  	_ =	strace s6  }
0x9a: {  	_ =	strace $0x8FFFFFFF  }
0x9b: {  	s19 =	sld [smem:$0x3FDB];
	_ =	sdelay $0x1  }
0x9c: {  	s7 =	simm.s32 $_scs_section_size  }
0x9d: {  	s8 =	simm.s32 $_size__tile_overlayer_lowered;
	s9 =	simm.s32 $_tile_overlayer_lowered  }
0x9e: {  	s22 =	simm.s32 $0x1BFF;
	s21 =	sshll.u32 s9, $0x1;
	s6 =	sadd.s32 s7, s19  }
0x9f: {  	s10 =	simm.s32 $0x0;
	s20 =	sshll.u32 s8, $0x1;
	s8 =	sadd.s32 s21, s6  }
0xa0: {  	[timem:s10], [sflag:s22] =	dma.local [hbm:s8], s20  }
0xa1: {  	_ =	swait.ge [sflag:s22], s20  }
0xa2: {  	s7 =	ssub.s32 $0x0, s20;
	[sflag:s22] =	ssyncset.done $0x0  }
0xa3: {  	[sflag:s22] =	ssyncadd.s32 s7;
	_ =	sdelay $0x1  }
0xa4: {  	s23 =	simm.s32 $0x1B8B  }
0xa5: {  	_ =	swait.ge [sflag:s23], $0x1  }
0xa6: {  	[sflag:s23] =	ssyncset.done $0x0  }
0xa7: {  	s25 =	simm.s32 $0x1B8E;
	s24 =	sld [smem:$0x3FFE];
	[sflag:s23] =	ssyncadd.s32 $0xFFFFFFFF  }
0xa8: {  	s26 =	simm.s32 $execute0_lowered;
	[smem:$0x3FD2] =	sst s25  }
0xa9: {  	s8 =	sshll.u32 s26, $0x1;
	_ =	strace $0x80000046;
	[dreg:$0x1] =	wrdreg $0xFFFFFFFF  }
0xaa: {  	s28 =	simm.s32 $_size_execute0_lowered;
	s6 =	sadd.s32 s6, s8;
	[dreg:$0x0] =	wrdreg $0x0  }
0xab: {  	s8 =	sshll.u32 s28, $0x1;
	[dreg:$0x2] =	wrdreg s6  }
0xac: {  	[dreg:$0x3] =	wrdreg s8  }
0xad: {  	[dreg:$0x4] =	wrdreg $0xC0  }
0xae: {  	_ =	task [dreg:s10], $0x5FFFF  }
0xaf: {  	[dreg:$0x1] =	wrdreg $0xFFFFFFFF  }
0xb0: {  	[dreg:$0x0] =	wrdreg $0x60  }
0xb1: {  	[dreg:$0x2] =	wrdreg s2  }
0xb2: {  	[dreg:$0x3] =	wrdreg s24  }
0xb3: {  	[dreg:$0x4] =	wrdreg s18  }
0xb4: {  	[dreg:$0x5] =	wrdreg s4  }
0xb5: {  	[dreg:$0x6] =	wrdreg s5  }
0xb6: {  	[dreg:$0x7] =	wrdreg $0x9  }
0xb7: {  	_ =	task.clear_ibuf [dreg:s10], $0x8FFFF;
	_ =	strace $0x90000046  }
0xb8: {  	s29 =	simm.s32 $0x9;
	_ =	strace $0x80000048  }
0xb9: {  	_ =	swait.ge [sflag:s29], $0x1  }
0xba: {  	[sflag:s29] =	ssyncadd.s32 $0xFFFFFFFF  }
0xbb: {  	_ =	strace $0x90000048  }
0xbc: {  	_ =	sfence  }
0xbd: {  	s30 =	sld [smem:$0x0];
	_ =	sdelay $0x2  }
0xbe: {  	s31 =	sshll.u32 s1, $0xD;
	s1 =	sshrl.u32 s1, $0x2  }
0xbf: {  	s3 =	sand.u32 $0x4000, s31;
	s1 =	sadd.s32 s1, s30  }
0xc0: {  	s0 =	sor.u32 s3, s0;
	s1 =	sshll.u32 s1, $0x11  }
0xc1: {  	s0 =	sor.u32 s1, s0  }
0xc2: {  	s0 =	sadd.s32 $0x8F2B, s0  }
0xc3: {  	[sflag:s0] =	ssyncadd.remote.s32 $0x1  }
0xc4: {  	_ =	sfence.sel $0xFFFF  }
0xc5: {  	[dreg:$0x0] =	wrdreg $0xFFFFFFFF;
	(pc) =	sbr.abs _section_cstart, $3  }
0xc6: {  	[dreg:$0x1] =	wrdreg $0xFFFFFFFF  }
0xc7: {  	_ =	task.clear_ibuf [dreg:s10], $0x2FFFF;
	_ =	strace $0x9FFFFFFF  }
0xc8: {  	(tm) =	ssettm $0x7FFFFFFF  }
0xc9: {  	_ =	shalt  }
tec
execute0_lowered:
.L_overlay_start_1:
0x0: {  	(tag) =	ssettag $0x1  }
0x1: {  	s0 =	rddreg [dreg:$0x1]  }
0x2: {  	s3 =	rddreg [dreg:$0x3]  }
0x3: {  	s4 =	rddreg [dreg:$0x4];
	s5 =	simm.s32 $0x0;
	s6 =	srdreg.scid  }
0x4: {  	s1 =	stileid.u32;
	s12 =	simm.s32 $0x1080;
	s13 =	simm.s32 $0x1100  }
0x5: {  	s14 =	simm.s32 $0x1180;
	s15 =	simm.s32 $0x1980;
	s16 =	simm.s32 $0x2200  }
0x6: {  	s17 =	simm.s32 $0x2A80;
	s18 =	simm.s32 $0x3300;
	s7 =	sand.u32 $0x1, s6  }
0x7: {  	s19 =	simm.s32 $0x4380;
	[smem:$0x7FF] =	sst s5;
	s8 =	ssub.s32 $0x2, s7  }
0x8: {  	v3 =	vlaneseq.u32;
	s10 =	sshll.u32 s1, $0x8;
	s1 =	simm.s32 $0x0;
	s9 =	sshrl.u32 s8, $0x1  }
0x9: {  	v1 =	vimm.s32 $0x0;
	v0 =	vmul.u32 $0x81, v3;
	v2 =	vmul.u32 $0x102, v3;
	_ =	strace $0x80000047;
	s11 =	sshll.u32 s7, $0x7;
	s31 =	ssub.s32 s8, s9  }
0xa: {  	v4 =	vimm.f32 $0.0e+00;
	v6 =	vimm.s32 $0x1;
	v3 =	vmul.u32 $0x80, v3;
	s7 =	sadd.s32 $0x800, s0;
	s8 =	sor.u32 s11, s10;
	s0 =	smax.u32 s31, $0x1  }
0xb: {  	v5 =	vadd.s32 $0x80, v0;
	v7 =	vadd.s32 $0x1, v0;
	v8 =	vor.u32 $0x1, v2;
	s10 =	simm.s32 $0x1;
	s11 =	simm.s32 $0x800;
	[dreg:$0x6] =	wrdreg s0  }
.LBB2_1:
0xc: {  	s21 =	simm.s32 $0x3320  }
0xd: {  	[tilespmem:s21+$0xFFFFFFE0] =	vst v1  }
0xe: {  	[tilespmem:s21+$0x10] =	vst v1  }
0xf: {  	s23 =	simm.s32 $0x0;
	s0 =	simm.s32 $0x4300;
	[tilespmem:s21+$0x0] =	vst v1  }
.LBB2_2:
0x10: {  	s23 =	sadd.s32 $0x40, s23  }
0x11: {  	[tilespmem:s21+$0xFFFFFFF0] =	vst v1;
	s21 =	sadd.s32 $0x40, s21;
	s22 =	simm.s32 $0xFF0;
	p0 =	slt.u32 s23, $0xFC0  }
.Ltmp0:
0x12: {  	[tilespmem:s21+$0xFFFFFFE0] =	vst v1;
	(pc) =	sbr.rel @p0 .LBB2_2-.Ltmp0, $3  }
0x13: {  	_ =	sdelay $0x1  }
0x14: {  	[tilespmem:s21+$0x10] =	vst v1  }
0x15: {  	[tilespmem:s21+$0x0] =	vst v1  }
0x16: {  	[dreg:$0x7] =	wrdreg s1  }
0x17: {  	[tilespmem:s21+$0xFFFFFFF0] =	vst v1  }
.LBB2_4:
0x18: {  	s22 =	sadd.s32 $0x10, s22  }
0x19: {  	p0 =	slt.u32 s22, $0x1010  }
.Ltmp1:
0x1a: {  	_ = 	snop;
	(pc) =	sbr.rel @p0 .LBB2_4-.Ltmp1, $2  }
0x1b: {  	_ =	sdelay $0x2  }
0x1c: {  	[tilespmem:s0+$0x0] =	vst v1;
	s0 =	sadd.s32 $0x10, s0;
	s21 =	simm.s32 $0x0  }
0x1d: {  	s22 =	simm.s32 $0x0  }
.LBB2_6:
0x1e: {  	s23 =	sadd.s32 s8, s22  }
0x1f: {  	s1 =	rddreg [dreg:$0x0];
	s0 =	sshll.u32 s23, $0x8  }
0x20: {  	s0 =	sadd.s32 s1, s0  }
0x21: {  	[tilespmem:s21], [sflag:$0x1] =	stream.linear.gather [hbm4b:s0+s21], $0x800, $0x38;
	[tilespmem:$0x5400] =	vst v63  }
0x22: {  	s26 =	smul.u32 $0x102, s23;
	_ =	swait.ge [sflag:s10], $0x800  }
0x23: {  	[sflag:s10] =	ssyncset.done $0x0  }
0x24: {  	s0 =	sadd.s32 s7, s26;
	[sflag:s10] =	ssyncadd.s32 $0xFFFFF800  }
0x25: {  	[tilespmem:s11], [sflag:$0x1] =	stream.linear.gather [hbm4b:s0+s21], $0x810, $0x38;
	[tilespmem:$0x5400] =	vst v63  }
0x26: {  	_ =	swait.ge [sflag:s10], $0x810  }
0x27: {  	[sflag:s10] =	ssyncset.done $0x0  }
0x28: {  	[sflag:s10] =	ssyncadd.s32 $0xFFFFF7F0  }
0x29: {  	s28 =	sshll.u32 s23, $0x1;
	s29 =	rddreg [dreg:$0x2]  }
0x2a: {  	v9 =	vmov s21;
	s30 =	simm.s32 $0x1;
	s24 =	sadd.s32 s29, s28  }
0x2b: {  	v9 =	vand.u32 $0x78, v9;
	[tilespmem:s12], [sflag:$0x1] =	stream.linear.gather [hbm4b:s24+s21], $0x10, $0x38;
	[tilespmem:$0x5400] =	vst v63  }
0x2c: {  	v10 =	vmov s30;
	v9 =	vbroadcast v9, $0x0;
	_ =	swait.ge [sflag:s10], $0x10  }
0x2d: {  	s31 =	simm.s32 $0x2;
	v10 =	vand.u32 $0x79, v10;
	[sflag:s10] =	ssyncset.done $0x0  }
0x2e: {  	s1 =	simm.s32 $0x3;
	v13 =	vor.u32 v3, v9;
	v9 =	vbroadcast v10, $0x0;
	v10 =	vmov s31;
	s0 =	sadd.s32 s3, s28;
	[sflag:s10] =	ssyncadd.s32 $0xFFFFFFF0  }
0x2f: {  	v10 =	vand.u32 $0x7A, v10;
	[tilespmem:s13], [sflag:$0x1] =	stream.linear.gather [hbm4b:s0+s21], $0x10, $0x38;
	[tilespmem:$0x5400] =	vst v63  }
0x30: {  	v14 =	vor.u32 v3, v9;
	v9 =	vbroadcast v10, $0x0;
	v10 =	vmov s1;
	_ =	swait.ge [sflag:s10], $0x10  }
0x31: {  	s2 =	simm.s32 $0x4;
	v10 =	vand.u32 $0x7B, v10;
	[sflag:s10] =	ssyncset.done $0x0  }
0x32: {  	v15 =	vor.u32 v3, v9;
	v9 =	vbroadcast v10, $0x0;
	v10 =	vmov s2;
	[sflag:s10] =	ssyncadd.s32 $0xFFFFFFF0  }
0x33: {  	s6 =	simm.s32 $0x5;
	v10 =	vand.u32 $0x7C, v10;
	v11 =	vld.idx.msk [tilespmem:v13+s5+$0x0], $0xffff  }
0x34: {  	s9 =	simm.s32 $0x6;
	v16 =	vor.u32 v3, v9;
	v9 =	vbroadcast v10, $0x0;
	v10 =	vmov s6  }
0x35: {  	v17 =	vmov s9;
	v10 =	vand.u32 $0x7D, v10;
	v12 =	vld.idx.msk [tilespmem:v14+s5+$0x0], $0xffff  }
0x36: {  	v19 =	vor.u32 v3, v9;
	v9 =	vbroadcast v10, $0x0;
	v10 =	vand.u32 $0x7E, v17  }
0x37: {  	s20 =	simm.s32 $0x9;
	v10 =	vbroadcast v10, $0x0;
	v17 =	vld.idx.msk [tilespmem:v15+s5+$0x0], $0xffff  }
0x38: {  	v23 =	vmov s20;
	s24 =	simm.s32 $0x8;
	v20 =	vor.u32 v3, v9;
	v9 =	vadd.f32 $9.999999770e-03, v11  }
0x39: {  	v21 =	vmov s24;
	v22 =	vor.u32 v3, v10;
	v18 =	vld.idx.msk [tilespmem:v16+s5+$0x0], $0xffff;
	v11 =	vimm.f32 $0.0e+00  }
0x3a: {  	s26 =	simm.s32 $0xA;
	v10 =	vand.u32 $0x78, v21;
	v21 =	vadd.f32 v9, v11;
	v11 =	vadd.f32 $9.999999770e-03, v12  }
0x3b: {  	s25 =	simm.s32 $0x7;
	v23 =	vand.u32 $0x79, v23;
	v25 =	vmov s26;
	v10 =	vbroadcast v10, $0x0;
	v12 =	vld.idx.msk [tilespmem:v19+s5+$0x0], $0xffff  }
0x3c: {  	v9 =	vor.u32 s25, v3;
	v24 =	vadd.f32 v11, v21;
	v11 =	vadd.f32 $9.999999770e-03, v17  }
0x3d: {  	v23 =	vbroadcast v23, $0x0;
	v25 =	vand.u32 $0x7A, v25;
	v17 =	vld.idx.msk [tilespmem:v20+s5+$0x0], $0xffff  }
0x3e: {  	s28 =	simm.s32 $0xB;
	v10 =	vor.u32 v3, v10;
	v18 =	vadd.f32 $9.999999770e-03, v18;
	v26 =	vadd.f32 v11, v24  }
0x3f: {  	v59 =	vmov s28;
	v27 =	vld.idx.msk [tilespmem:v22+s5+$0x0], $0xffff;
	v11 =	vor.u32 v3, v23;
	v23 =	vbroadcast v25, $0x0  }
0x40: {  	s29 =	simm.s32 $0xC;
	v25 =	vand.u32 $0x7B, v59;
	v28 =	vadd.f32 $9.999999770e-03, v12;
	v18 =	vadd.f32 v18, v26  }
0x41: {  	v60 =	vmov s29;
	[tilespmem:v13+s14+$0x0] =	vst.idx.msk $0xffff, v21;
	v29 =	vld.idx.msk [tilespmem:v9+s5+$0x0], $0xffff;
	v12 =	vor.u32 v3, v23;
	v23 =	vbroadcast v25, $0x0  }
0x42: {  	s30 =	simm.s32 $0xD;
	v21 =	vand.u32 $0x7C, v60;
	[tilespmem:v14+s14+$0x0] =	vst.idx.msk $0xffff, v24;
	v17 =	vadd.f32 $9.999999770e-03, v17;
	v61 =	vadd.f32 v28, v18  }
0x43: {  	v62 =	vld.idx.msk [tilespmem:v10+s5+$0x0], $0xffff;
	v14 =	vbroadcast v21, $0x0;
	v21 =	vmov s30;
	[tilespmem:v15+s14+$0x0] =	vst.idx.msk $0xffff, v26;
	v13 =	vor.u32 v3, v23  }
0x44: {  	s31 =	simm.s32 $0xE;
	v15 =	vand.u32 $0x7D, v21;
	v21 =	vadd.f32 $9.999999770e-03, v27;
	[tilespmem:v16+s14+$0x0] =	vst.idx.msk $0xffff, v18;
	v17 =	vadd.f32 v17, v61  }
0x45: {  	v14 =	vor.u32 v3, v14;
	v15 =	vbroadcast v15, $0x0;
	v18 =	vld.idx.msk [tilespmem:v11+s5+$0x0], $0xffff;
	[tilespmem:v19+s14+$0x0] =	vst.idx.msk $0xffff, v61;
	v19 =	vmov s31  }
0x46: {  	v63 =	vadd.f32 $9.999999770e-03, v29;
	v19 =	vand.u32 $0x7E, v19;
	v23 =	vadd.f32 v21, v17  }
0x47: {  	v15 =	vor.u32 v3, v15;
	v16 =	vld.idx.msk [tilespmem:v12+s5+$0x0], $0xffff;
	[tilespmem:v20+s14+$0x0] =	vst.idx.msk $0xffff, v17;
	v21 =	vbroadcast v19, $0x0  }
0x48: {  	s25 =	simm.s32 $0x10;
	v20 =	vadd.f32 $9.999999770e-03, v62;
	v17 =	vld.idx.msk [tilespmem:v13+s5+$0x0], $0xffff;
	[tilespmem:v22+s14+$0x0] =	vst.idx.msk $0xffff, v23;
	v19 =	vadd.f32 v63, v23  }
.LBB2_7:
0x49: {  	v22 =	vmov s25;
	p0 =	slt.u32 s25, $0x78;
	v23 =	vor.u32 v3, v21  }
0x4a: {  	s0 =	sadd.s32 $0x1, s25;
	v18 =	vadd.f32 $9.999999770e-03, v18;
	s26 =	sadd.s32 $0x7, s24;
	s24 =	smov.u32 s25;
	v21 =	vand.u32 $0x78, v22;
	v20 =	vadd.f32 v20, v19;
	v22 =	vld.idx.msk [tilespmem:v14+s5+$0x0], $0xffff;
	[tilespmem:v9+s14+$0x0] =	vst.idx.msk $0xffff, v19  }
0x4b: {  	v9 =	vor.u32 s26, v3;
	v19 =	vbroadcast v21, $0x0;
	v21 =	vmov s0  }
0x4c: {  	s0 =	sadd.s32 $0x2, s25;
	v16 =	vadd.f32 $9.999999770e-03, v16;
	v21 =	vand.u32 $0x79, v21;
	[tilespmem:v10+s14+$0x0] =	vst.idx.msk $0xffff, v20;
	v18 =	vadd.f32 v18, v20;
	v20 =	vld.idx.msk [tilespmem:v15+s5+$0x0], $0xffff  }
0x4d: {  	v10 =	vor.u32 v3, v19;
	v19 =	vbroadcast v21, $0x0;
	v21 =	vmov s0  }
0x4e: {  	s0 =	sadd.s32 $0x3, s25;
	v17 =	vadd.f32 $9.999999770e-03, v17;
	v21 =	vand.u32 $0x7A, v21;
	[tilespmem:v11+s14+$0x0] =	vst.idx.msk $0xffff, v18;
	v16 =	vadd.f32 v16, v18;
	v24 =	vld.idx.msk [tilespmem:v23+s5+$0x0], $0xffff  }
0x4f: {  	v11 =	vor.u32 v3, v19;
	v18 =	vbroadcast v21, $0x0;
	v19 =	vmov s0  }
0x50: {  	s0 =	sadd.s32 $0x4, s25;
	v19 =	vand.u32 $0x7B, v19;
	[tilespmem:v12+s14+$0x0] =	vst.idx.msk $0xffff, v16;
	v16 =	vadd.f32 v17, v16;
	v17 =	vadd.f32 $9.999999770e-03, v22;
	v21 =	vld.idx.msk [tilespmem:v9+s5+$0x0], $0xffff  }
0x51: {  	v12 =	vor.u32 v3, v18;
	v18 =	vbroadcast v19, $0x0;
	v19 =	vmov s0  }
0x52: {  	s0 =	sadd.s32 $0x5, s25;
	v22 =	vld.idx.msk [tilespmem:v10+s5+$0x0], $0xffff;
	v19 =	vand.u32 $0x7C, v19;
	[tilespmem:v13+s14+$0x0] =	vst.idx.msk $0xffff, v16;
	v16 =	vadd.f32 v17, v16;
	v17 =	vadd.f32 $9.999999770e-03, v20  }
0x53: {  	v20 =	vmov s0;
	v13 =	vor.u32 v3, v18;
	v19 =	vbroadcast v19, $0x0  }
.Ltmp2:
0x54: {  	s0 =	sadd.s32 $0x6, s25;
	v20 =	vand.u32 $0x7D, v20;
	v24 =	vadd.f32 $9.999999770e-03, v24;
	v18 =	vld.idx.msk [tilespmem:v11+s5+$0x0], $0xffff;
	[tilespmem:v14+s14+$0x0] =	vst.idx.msk $0xffff, v16;
	v17 =	vadd.f32 v17, v16;
	(pc) =	sbr.rel @p0 .LBB2_7-.Ltmp2, $4  }
0x55: {  	v14 =	vor.u32 v3, v19;
	v19 =	vbroadcast v20, $0x0;
	v20 =	vmov s0  }
0x56: {  	v25 =	vadd.f32 $9.999999770e-03, v21;
	v16 =	vld.idx.msk [tilespmem:v12+s5+$0x0], $0xffff;
	v20 =	vand.u32 $0x7E, v20;
	[tilespmem:v15+s14+$0x0] =	vst.idx.msk $0xffff, v17;
	v24 =	vadd.f32 v24, v17  }
0x57: {  	v15 =	vor.u32 v3, v19;
	v21 =	vbroadcast v20, $0x0  }
0x58: {  	s25 =	sadd.s32 $0x8, s25;
	v20 =	vadd.f32 $9.999999770e-03, v22;
	v17 =	vld.idx.msk [tilespmem:v13+s5+$0x0], $0xffff;
	[tilespmem:v23+s14+$0x0] =	vst.idx.msk $0xffff, v24;
	v19 =	vadd.f32 v25, v24  }
0x59: {  	_ =	sdelay $0x2  }
0x5a: {  	v21 =	vor.u32 v3, v21;
	v18 =	vadd.f32 $9.999999770e-03, v18;
	v20 =	vadd.f32 v20, v19  }
0x5b: {  	v22 =	vld.idx.msk [tilespmem:v14+s5+$0x0], $0xffff;
	s0 =	sadd.s32 $0x7, s24  }
0x5c: {  	v23 =	vor.u32 s0, v3;
	v16 =	vadd.f32 $9.999999770e-03, v16;
	v18 =	vadd.f32 v18, v20  }
0x5d: {  	v24 =	vld.idx.msk [tilespmem:v15+s5+$0x0], $0xffff  }
0x5e: {  	v17 =	vadd.f32 $9.999999770e-03, v17;
	v16 =	vadd.f32 v16, v18  }
0x5f: {  	v25 =	vld.idx.msk [tilespmem:v21+s5+$0x0], $0xffff  }
0x60: {  	v22 =	vadd.f32 $9.999999770e-03, v22;
	v17 =	vadd.f32 v17, v16  }
0x61: {  	v26 =	vld.idx.msk [tilespmem:v23+s5+$0x0], $0xffff  }
0x62: {  	v24 =	vadd.f32 $9.999999770e-03, v24;
	v22 =	vadd.f32 v22, v17;
	_ =	sdelay $0x1  }
0x63: {  	v25 =	vadd.f32 $9.999999770e-03, v25;
	v24 =	vadd.f32 v24, v22  }
0x64: {  	[tilespmem:v9+s14+$0x0] =	vst.idx.msk $0xffff, v19  }
0x65: {  	[tilespmem:v10+s14+$0x0] =	vst.idx.msk $0xffff, v20;
	v26 =	vadd.f32 $9.999999770e-03, v26;
	v25 =	vadd.f32 v25, v24  }
0x66: {  	[tilespmem:v11+s14+$0x0] =	vst.idx.msk $0xffff, v18  }
0x67: {  	[tilespmem:v12+s14+$0x0] =	vst.idx.msk $0xffff, v16;
	v9 =	vadd.f32 v26, v25  }
0x68: {  	[tilespmem:v13+s14+$0x0] =	vst.idx.msk $0xffff, v17  }
0x69: {  	s26 =	simm.s32 $0x0;
	[tilespmem:v14+s14+$0x0] =	vst.idx.msk $0xffff, v22;
	v10 =	vsub.f32 $9.999999740e-06, v9  }
0x6a: {  	s31 =	smax.u32 s26, $0x1;
	[tilespmem:v15+s14+$0x0] =	vst.idx.msk $0xffff, v24  }
0x6b: {  	s0 =	sadd.s32 $0xFFFFFFFF, s31;
	[tilespmem:v21+s14+$0x0] =	vst.idx.msk $0xffff, v25;
	v10 =	vmax.f32 v10, $0.0e+00  }
0x6c: {  	s24 =	simm.s32 $0x1;
	s28 =	simm.s32 $0x2;
	v13 =	vor.u32 s0, v3;
	[tilespmem:v23+s14+$0x0] =	vst.idx.msk $0xffff, v9;
	v11 =	vadd.f32 v10, v9  }
0x6d: {  	v12 =	vmov s28;
	v14 =	vor.u32 s28, v3;
	[tilespmem:v5+s15+$0x0] =	vst.idx.msk $0xffff, v4;
	v9 =	vmov s24  }
0x6e: {  	s25 =	simm.s32 $0x3;
	[tilespmem:v5+s16+$0x0] =	vst.idx.msk $0xffff, v4;
	v9 =	vand.u32 $0x7D, v9;
	(erf) = vrcp.f32 v11;
	v11 =	vor.u32 s26, v3  }
0x6f: {  	s1 =	scvt.s32.f32 s25;
	v12 =	vand.u32 $0x7E, v12;
	v15 =	vor.u32 s24, v3;
	[tilespmem:v5+s17+$0x0] =	vst.idx.msk $0xffff, v4;
	v9 =	vbroadcast v9, $0x0  }
0x70: {  	s29 =	scvt.s32.f32 s24;
	v12 =	vbroadcast v12, $0x0;
	[tilespmem:v2+s18+$0x0] =	vst.idx.msk $0xffff, v6  }
0x71: {  	s9 =	scvt.s32.f32 s28;
	v30 =	vadd.s32 s26, v7;
	s31 =	sadd.f32 $1.000000000e+00, s1;
	v19 =	vld.idx.msk [tilespmem:v13+s14+$0x0], $0xffff;
	v16 =	vor.u32 v3, v9  }
0x72: {  	s30 =	scvt.s32.f32 s26;
	s6 =	sadd.f32 $1.000000000e+00, s29;
	v20 =	vadd.s32 s28, v7;
	v22 =	vld.idx.msk [tilespmem:v14+s14+$0x0], $0xffff;
	v9 =	vmul.f32 $7.812500000e-03, v10;
	v10 =	vor.u32 v3, v12  }
0x73: {  	s2 =	sadd.f32 $1.000000000e+00, s9;
	v18 =	vadd.s32 s24, v7;
	v17 =	vmov s26;
	v21 =	vadd.s32 s25, v7;
	v12 =	vld.idx.msk [tilespmem:v11+s14+$0x0], $0xffff  }
0x74: {  	s20 =	sadd.f32 $1.000000000e+00, s30;
	v15 =	vld.idx.msk [tilespmem:v15+s14+$0x0], $0xffff;
	v23 =	vmul.f32 s31, v9;
	v24 =	vmul.f32 s30, v9;
	v11 =	vand.u32 $0x7C, v17  }
0x75: {  	v14 =	vadd.s32 s26, v0;
	v27 =	vmul.f32 s2, v9;
	v11 =	vbroadcast v11, $0x0  }
0x76: {  	v13 =	vmul.f32 s20, v9;
	v26 =	vmul.f32 s6, v9;
	v17 =	vor.u32 s25, v3;
	v16 =	vld.idx.msk [tilespmem:v16+s14+$0x0], $0xffff  }
0x77: {  	v31 =	vmul.f32 s29, v9;
	v22 =	vadd.f32 v22, v27;
	v28 =	vld.idx.msk [tilespmem:v10+s14+$0x0], $0xffff;
	v25 =	vor.u32 v3, v11  }
0x78: {  	v27 =	vmul.f32 s9, v9;
	v19 =	vadd.f32 v19, v24;
	v29 =	vadd.f32 v12, v13  }
0x79: {  	v15 =	vadd.f32 v15, v26;
	v24 =	vmul.f32 s1, v9;
	v11 =	vadd.s32 s25, v0;
	v10 =	vpop (erf)  }
0x7a: {  	v12 =	vadd.s32 s24, v0;
	v22 =	vmul.f32 v22, v10;
	v29 =	vmul.f32 v29, v10  }
0x7b: {  	v17 =	vld.idx.msk [tilespmem:v17+s14+$0x0], $0xffff;
	v13 =	vadd.s32 s28, v0;
	v15 =	vmul.f32 v15, v10;
	v19 =	vmul.f32 v19, v10  }
0x7c: {  	v16 =	vadd.f32 v16, v27;
	v24 =	vadd.f32 v28, v24;
	v25 =	vld.idx.msk [tilespmem:v25+s14+$0x0], $0xffff;
	v26 =	vmin.f32 v29, $1.000000000e+00  }
0x7d: {  	v22 =	vmin.f32 v22, $1.000000000e+00;
	v19 =	vmin.f32 v19, $1.000000000e+00;
	v27 =	vmul.f32 $1.290000000e+02, v26  }
0x7e: {  	p0 =	por $0x1, $0x1;
	v58 =	vmin.f32 v15, $1.000000000e+00;
	v16 =	vmul.f32 v16, v10;
	v24 =	vmul.f32 v24, v10  }
0x7f: {  	v18 =	vld.idx.msk [tilespmem:v18+s11+$0x0], $0xffff;
	v32 =	vmul.f32 $1.290000000e+02, v22;
	v29 =	vpsel p0, $0x0, v19;
	v27 =	vadd.f32 $-5.000000000e-01, v27  }
0x80: {  	v17 =	vadd.f32 v17, v23;
	v23 =	vld.idx.msk [tilespmem:v12+s11+$0x0], $0xffff;
	v28 =	vmin.f32 v16, $1.000000000e+00;
	v15 =	vmin.f32 v24, $1.000000000e+00  }
0x81: {  	v24 =	vsub.f32 v26, v29;
	v25 =	vadd.f32 v25, v31;
	v19 =	vmax.f32 v27, $0.0e+00  }
0x82: {  	v16 =	vmul.f32 v17, v10;
	v17 =	vld.idx.msk [tilespmem:v14+s11+$0x0], $0xffff;
	v22 =	vsub.f32 v22, v28;
	v57 =	vtrunc.f32 v19  }
0x83: {  	(erf) = vrcp.f32 v24;
	v27 =	vld.idx.msk [tilespmem:v30+s11+$0x0], $0xffff;
	vm0 =	vgt.f32 v19, v57;
	v19 =	vmul.f32 v25, v10  }
0x84: {  	v20 =	vld.idx.msk [tilespmem:v20+s11+$0x0], $0xffff;
	vm1 =	vgt.f32 v24, $0.0e+00;
	v31 =	vmul.f32 $1.290000000e+02, v58;
	v16 =	vmin.f32 v16, $1.000000000e+00  }
0x85: {  	v24 =	vld.idx.msk [tilespmem:v13+s11+$0x0], $0xffff;
	v18 =	vsub.f32 v18, v23;
	v23 =	vcvt.f32.s32 v57;
	v26 =	vmin.f32 v19, $1.000000000e+00  }
0x86: {  	vm3 =	vgt.f32 v22, $0.0e+00;
	v25 =	vsel vm0, $0x1, v1;
	v59 =	vsub.f32 v58, v26  }
0x87: {  	v19 =	vsub.f32 v16, v15;
	v16 =	vmul.f32 $1.290000000e+02, v16;
	v23 =	vadd.s32 v23, v25  }
0x88: {  	v27 =	vsub.f32 v27, v17;
	v17 =	vadd.f32 $-5.000000000e-01, v32;
	(erf) = vrcp.f32 v59  }
0x89: {  	vm0 =	vlt.s32 v23, $0x81;
	v16 =	vadd.f32 $-5.000000000e-01, v16;
	(erf) = vrcp.f32 v22  }
0x8a: {  	v62 =	vld.idx.msk [tilespmem:v11+s11+$0x0], $0xffff;
	v20 =	vsub.f32 v20, v24;
	v23 =	vnsel vm0, $0x81, v23;
	v17 =	vmax.f32 v17, $0.0e+00  }
0x8b: {  	v24 =	vld.idx.msk [tilespmem:v21+s11+$0x0], $0xffff;
	v63 =	vadd.s32 s26, v23;
	v16 =	vmax.f32 v16, $0.0e+00;
	v60 =	vtrunc.f32 v17  }
0x8c: {  	[tilespmem:v12+s15+$0x0] =	vst.idx.msk $0xffff, v18;
	v18 =	vpop (erf);
	v25 =	vtrunc.f32 v16;
	vm2 =	vgt.f32 v17, v60;
	(erf) = vrcp.f32 v19  }
0x8d: {  	v18 =	vnsel vm1, $0x0, v18;
	vm0 =	vgt.f32 v16, v25;
	v16 =	vcvt.f32.s32 v60  }
0x8e: {  	v61 =	vsel vm2, $0x1, v1;
	v17 =	vsel vm0, $0x1, v1;
	vm0 =	vgt.f32 v19, $0.0e+00  }
0x8f: {  	v19 =	vcvt.f32.s32 v25;
	v25 =	vadd.f32 $-5.000000000e-01, v31;
	v16 =	vadd.s32 v16, v61  }
0x90: {  	v24 =	vsub.f32 v24, v62;
	vm2 =	vgt.f32 v59, $0.0e+00;
	vm4 =	vlt.s32 v16, $0x81  }
0x91: {  	[tilespmem:v13+s15+$0x0] =	vst.idx.msk $0xffff, v20;
	v23 =	vmul.f32 v18, v29;
	v22 =	vmax.f32 v25, $0.0e+00;
	v16 =	vnsel vm4, $0x81, v16;
	v21 =	vpop (erf)  }
0x92: {  	[tilespmem:v14+s15+$0x0] =	vst.idx.msk $0xffff, v27;
	v25 =	vtrunc.f32 v22;
	v16 =	vadd.s32 s28, v16;
	v20 =	vnsel vm2, $0x0, v21;
	v21 =	vpop (erf)  }
0x93: {  	[tilespmem:v14+s16+$0x0] =	vst.idx.msk $0xffff, v18;
	v16 =	vadd.s32 v8, v16;
	v18 =	vmul.f32 v20, v26;
	v27 =	vnsel vm3, $0x0, v21  }
0x94: {  	s26 =	simm.s32 $0x4;
	[tilespmem:v12+s16+$0x0] =	vst.idx.msk $0xffff, v20;
	v20 =	vcvt.f32.s32 v25;
	v21 =	vadd.s32 v8, v63;
	v26 =	vmul.f32 v27, v28  }
.LBB2_9:
0x95: {  	v28 =	vor.u32 s26, v3;
	s0 =	sadd.s32 $0x1, s26;
	s28 =	sadd.s32 $0x2, s26;
	s6 =	sadd.s32 $0x3, s26;
	vm1 =	vgt.f32 v22, v25;
	[tilespmem:v13+s16+$0x0] =	vst.idx.msk $0xffff, v27;
	v17 =	vadd.s32 v19, v17  }
0x96: {  	s9 =	smax.u32 s26, $0x1;
	v19 =	vmov s0;
	s31 =	scvt.s32.f32 s0;
	v22 =	vmov s28;
	s30 =	scvt.s32.f32 s6;
	[tilespmem:v14+s17+$0x0] =	vst.idx.msk $0xffff, v23;
	vm2 =	vlt.s32 v17, $0x81;
	v14 =	vpop (erf)  }
0x97: {  	p0 =	slt.u32 s26, $0x7C;
	s29 =	smov.u32 s26;
	s26 =	sadd.s32 $0x4, s26;
	v19 =	vand.u32 $0x7D, v19;
	v22 =	vand.u32 $0x7E, v22;
	[tilespmem:v13+s17+$0x0] =	vst.idx.msk $0xffff, v26;
	v13 =	vnsel vm2, $0x81, v17  }
0x98: {  	s9 =	sadd.s32 $0xFFFFFFFF, s9;
	v17 =	vbroadcast v19, $0x0;
	v19 =	vbroadcast v22, $0x0;
	v22 =	vsel vm1, $0x1, v1;
	[tilespmem:v11+s15+$0x0] =	vst.idx.msk $0xffff, v24  }
0x99: {  	v23 =	vor.u32 s9, v3;
	v24 =	vor.u32 s28, v3;
	v13 =	vadd.s32 s25, v13;
	s25 =	smov.u32 s6;
	[tilespmem:v21+s18+$0x0] =	vst.idx.msk $0xffff, v6  }
0x9a: {  	v17 =	vor.u32 v3, v17;
	v19 =	vor.u32 v3, v19;
	[tilespmem:v12+s17+$0x0] =	vst.idx.msk $0xffff, v18;
	v12 =	vnsel vm0, $0x0, v14  }
0x9b: {  	v14 =	vor.u32 s0, v3;
	v18 =	vor.u32 s25, v3;
	v15 =	vmul.f32 v12, v15;
	[tilespmem:v11+s16+$0x0] =	vst.idx.msk $0xffff, v12  }
0x9c: {  	v21 =	vadd.s32 s0, v7;
	v13 =	vadd.s32 v8, v13;
	v12 =	vadd.s32 v20, v22;
	[tilespmem:v16+s18+$0x0] =	vst.idx.msk $0xffff, v6  }
0x9d: {  	s6 =	scvt.s32.f32 s29;
	s9 =	sadd.f32 $1.000000000e+00, s30;
	v22 =	vadd.s32 s28, v7;
	v16 =	vmov s29;
	vm0 =	vlt.s32 v12, $0x81;
	v20 =	vld.idx.msk [tilespmem:v28+s14+$0x0], $0xffff;
	[tilespmem:v11+s17+$0x0] =	vst.idx.msk $0xffff, v15  }
0x9e: {  	s1 =	scvt.s32.f32 s28;
	s20 =	sadd.f32 $1.000000000e+00, s31;
	v11 =	vand.u32 $0x7C, v16;
	v16 =	vadd.s32 s25, v7;
	v12 =	vnsel vm0, $0x81, v12;
	v15 =	vld.idx.msk [tilespmem:v23+s14+$0x0], $0xffff  }
0x9f: {  	s2 =	sadd.f32 $1.000000000e+00, s6;
	v11 =	vbroadcast v11, $0x0;
	v12 =	vadd.s32 s24, v12;
	s24 =	smov.u32 s0;
	v23 =	vld.idx.msk [tilespmem:v24+s14+$0x0], $0xffff;
	v24 =	vmul.f32 s9, v9  }
0xa0: {  	v25 =	vmul.f32 s6, v9;
	s0 =	sadd.f32 $1.000000000e+00, s1;
	v27 =	vadd.s32 v8, v12;
	v26 =	vld.idx.msk [tilespmem:v14+s14+$0x0], $0xffff  }
0xa1: {  	v12 =	vmul.f32 s2, v9;
	v28 =	vor.u32 v3, v11;
	v17 =	vld.idx.msk [tilespmem:v17+s14+$0x0], $0xffff;
	[tilespmem:v13+s18+$0x0] =	vst.idx.msk $0xffff, v6  }
0xa2: {  	v29 =	vmul.f32 s20, v9;
	v30 =	vmul.f32 s0, v9;
	v11 =	vadd.s32 s25, v0;
	v19 =	vld.idx.msk [tilespmem:v19+s14+$0x0], $0xffff  }
0xa3: {  	v31 =	vadd.s32 s29, v7;
	v20 =	vadd.f32 v20, v12;
	v12 =	vadd.s32 s24, v0;
	v18 =	vld.idx.msk [tilespmem:v18+s14+$0x0], $0xffff  }
0xa4: {  	v32 =	vmul.f32 s31, v9;
	v14 =	vadd.s32 s29, v0;
	v13 =	vadd.s32 s28, v0;
	v21 =	vld.idx.msk [tilespmem:v21+s11+$0x0], $0xffff  }
0xa5: {  	v20 =	vmul.f32 v20, v10;
	v23 =	vadd.f32 v23, v30;
	v30 =	vmul.f32 s1, v9;
	[tilespmem:v27+s18+$0x0] =	vst.idx.msk $0xffff, v6  }
0xa6: {  	v15 =	vadd.f32 v15, v25;
	v26 =	vadd.f32 v26, v29;
	v27 =	vmul.f32 s30, v9;
	v25 =	vld.idx.msk [tilespmem:v28+s14+$0x0], $0xffff  }
0xa7: {  	v20 =	vmin.f32 v20, $1.000000000e+00;
	v23 =	vmul.f32 v23, v10;
	v17 =	vadd.f32 v17, v30;
	v28 =	vld.idx.msk [tilespmem:v11+s11+$0x0], $0xffff  }
0xa8: {  	v29 =	vmul.f32 $1.290000000e+02, v20;
	v26 =	vmul.f32 v26, v10;
	v19 =	vadd.f32 v19, v27;
	v30 =	vld.idx.msk [tilespmem:v12+s11+$0x0], $0xffff  }
0xa9: {  	v15 =	vmul.f32 v15, v10;
	v17 =	vmul.f32 v17, v10;
	v18 =	vadd.f32 v18, v24;
	v27 =	vld.idx.msk [tilespmem:v14+s11+$0x0], $0xffff  }
0xaa: {  	v23 =	vmin.f32 v23, $1.000000000e+00;
	v29 =	vadd.f32 $-5.000000000e-01, v29;
	v19 =	vmul.f32 v19, v10;
	v24 =	vld.idx.msk [tilespmem:v31+s11+$0x0], $0xffff  }
0xab: {  	p1 =	seq.s32 s29, $0x0;
	v15 =	vmin.f32 v15, $1.000000000e+00;
	v31 =	vmin.f32 v17, $1.000000000e+00;
	v17 =	vmul.f32 v18, v10  }
0xac: {  	v18 =	vpsel p1, $0x0, v15;
	v29 =	vmax.f32 v29, $0.0e+00;
	v25 =	vadd.f32 v25, v32  }
0xad: {  	v26 =	vmin.f32 v26, $1.000000000e+00;
	v15 =	vmin.f32 v19, $1.000000000e+00;
	v32 =	vtrunc.f32 v29  }
0xae: {  	v17 =	vmin.f32 v17, $1.000000000e+00;
	vm0 =	vgt.f32 v29, v32;
	v19 =	vmul.f32 v25, v10  }
0xaf: {  	v20 =	vsub.f32 v20, v18;
	v21 =	vsub.f32 v21, v30;
	v25 =	vsel vm0, $0x1, v1  }
0xb0: {  	v30 =	vsub.f32 v17, v15;
	v17 =	vmul.f32 $1.290000000e+02, v17;
	v29 =	vmin.f32 v19, $1.000000000e+00  }
0xb1: {  	v19 =	vcvt.f32.s32 v32;
	v24 =	vsub.f32 v24, v27;
	v27 =	vsub.f32 v26, v29;
	[tilespmem:v12+s15+$0x0] =	vst.idx.msk $0xffff, v21  }
0xb2: {  	v17 =	vadd.f32 $-5.000000000e-01, v17;
	v21 =	vmul.f32 $1.290000000e+02, v23;
	(erf) = vrcp.f32 v20  }
0xb3: {  	vm1 =	vgt.f32 v20, $0.0e+00;
	v20 =	vsub.f32 v23, v31;
	[tilespmem:v14+s15+$0x0] =	vst.idx.msk $0xffff, v24;
	v22 =	vld.idx.msk [tilespmem:v22+s11+$0x0], $0xffff;
	(erf) = vrcp.f32 v27  }
0xb4: {  	v19 =	vadd.s32 v19, v25;
	v17 =	vmax.f32 v17, $0.0e+00;
	v21 =	vadd.f32 $-5.000000000e-01, v21;
	v23 =	vld.idx.msk [tilespmem:v13+s11+$0x0], $0xffff  }
0xb5: {  	vm0 =	vlt.s32 v19, $0x81;
	v24 =	vtrunc.f32 v17;
	(erf) = vrcp.f32 v20  }
0xb6: {  	v25 =	vnsel vm0, $0x81, v19;
	vm0 =	vgt.f32 v17, v24;
	v19 =	vmax.f32 v21, $0.0e+00  }
0xb7: {  	v21 =	vmul.f32 $1.290000000e+02, v26;
	v17 =	vsel vm0, $0x1, v1;
	v26 =	vtrunc.f32 v19  }
0xb8: {  	vm0 =	vgt.f32 v30, $0.0e+00;
	v32 =	vcvt.f32.s32 v26;
	vm2 =	vgt.f32 v19, v26  }
0xb9: {  	v19 =	vcvt.f32.s32 v24;
	v26 =	vsel vm2, $0x1, v1;
	(erf) = vrcp.f32 v30  }
0xba: {  	v33 =	vadd.f32 $-5.000000000e-01, v21;
	v24 =	vadd.s32 v32, v26;
	v23 =	vsub.f32 v22, v23;
	v30 =	vld.idx.msk [tilespmem:v16+s11+$0x0], $0xffff  }
0xbb: {  	vm3 =	vgt.f32 v20, $0.0e+00;
	vm2 =	vgt.f32 v27, $0.0e+00;
	vm4 =	vlt.s32 v24, $0x81;
	v16 =	vpop (erf)  }
.Ltmp3:
0xbc: {  	v22 =	vmax.f32 v33, $0.0e+00;
	v20 =	vnsel vm4, $0x81, v24;
	v16 =	vnsel vm1, $0x0, v16;
	[tilespmem:v13+s15+$0x0] =	vst.idx.msk $0xffff, v23;
	v21 =	vpop (erf);
	(pc) =	sbr.rel @p0 .LBB2_9-.Ltmp3, $4  }
0xbd: {  	v24 =	vadd.s32 s29, v25;
	v25 =	vtrunc.f32 v22;
	[tilespmem:v14+s16+$0x0] =	vst.idx.msk $0xffff, v16;
	v26 =	vnsel vm2, $0x0, v21  }
0xbe: {  	v23 =	vmul.f32 v16, v18;
	v16 =	vadd.s32 s28, v20;
	v18 =	vmul.f32 v26, v29;
	[tilespmem:v12+s16+$0x0] =	vst.idx.msk $0xffff, v26;
	v21 =	vpop (erf)  }
0xbf: {  	v20 =	vcvt.f32.s32 v25;
	v16 =	vadd.s32 v8, v16;
	v27 =	vnsel vm3, $0x0, v21  }
0xc0: {  	v21 =	vadd.s32 v8, v24;
	v24 =	vsub.f32 v30, v28;
	v26 =	vmul.f32 v27, v31  }
0xc1: {  	_ =	sdelay $0x2  }
0xc2: {  	vm1 =	vgt.f32 v22, v25  }
0xc3: {  	[tilespmem:v13+s16+$0x0] =	vst.idx.msk $0xffff, v27;
	v9 =	vadd.s32 v19, v17;
	v10 =	vsel vm1, $0x1, v1  }
0xc4: {  	[tilespmem:v14+s17+$0x0] =	vst.idx.msk $0xffff, v23;
	vm14 =	vlt.s32 v9, $0x81;
	v10 =	vadd.s32 v20, v10  }
0xc5: {  	[tilespmem:v12+s17+$0x0] =	vst.idx.msk $0xffff, v18;
	v9 =	vnsel vm14, $0x81, v9;
	vm15 =	vlt.s32 v10, $0x81  }
0xc6: {  	[tilespmem:v13+s17+$0x0] =	vst.idx.msk $0xffff, v26;
	v9 =	vadd.s32 s25, v9;
	v10 =	vnsel vm15, $0x81, v10  }
0xc7: {  	[tilespmem:v11+s15+$0x0] =	vst.idx.msk $0xffff, v24;
	v13 =	vpop (erf);
	v9 =	vadd.s32 v8, v9;
	v10 =	vadd.s32 s24, v10  }
0xc8: {  	s0 =	simm.s32 $0x0;
	[tilespmem:v21+s18+$0x0] =	vst.idx.msk $0xffff, v6;
	v12 =	vnsel vm0, $0x0, v13;
	v13 =	vadd.s32 v8, v10  }
0xc9: {  	[tilespmem:v16+s18+$0x0] =	vst.idx.msk $0xffff, v6;
	v14 =	vmul.f32 v12, v15;
	v10 =	vadd.s32 s0, v2  }
0xca: {  	[tilespmem:v11+s16+$0x0] =	vst.idx.msk $0xffff, v12  }
0xcb: {  	[tilespmem:v11+s17+$0x0] =	vst.idx.msk $0xffff, v14  }
0xcc: {  	s1 =	simm.s32 $0x1;
	[tilespmem:v9+s18+$0x0] =	vst.idx.msk $0xffff, v6  }
0xcd: {  	s2 =	simm.s32 $0x2;
	v24 =	vadd.s32 s1, v2;
	[tilespmem:v13+s18+$0x0] =	vst.idx.msk $0xffff, v6  }
0xce: {  	s6 =	simm.s32 $0x3;
	v25 =	vadd.s32 s2, v2;
	v9 =	vld.idx.msk [tilespmem:v10+s18+$0x0], $0xffff  }
0xcf: {  	s9 =	simm.s32 $0x4;
	v28 =	vadd.s32 s6, v2  }
0xd0: {  	s20 =	simm.s32 $0x5;
	v30 =	vadd.s32 s9, v2  }
0xd1: {  	v23 =	vadd.s32 s20, v2  }
0xd2: {  	v14 =	vimm.s32 $0xFFFFFFFF;
	v11 =	vld.idx.msk [tilespmem:v24+s18+$0x0], $0xffff  }
0xd3: {  	v12 =	vld.idx.msk [tilespmem:v25+s18+$0x0], $0xffff;
	v14 =	vadd.s32 v14, v9  }
0xd4: {  	v13 =	vld.idx.msk [tilespmem:v28+s18+$0x0], $0xffff;
	v18 =	vadd.s32 v0, v14  }
0xd5: {  	v15 =	vld.idx.msk [tilespmem:v30+s18+$0x0], $0xffff  }
0xd6: {  	v16 =	vld.idx.msk [tilespmem:v23+s18+$0x0], $0xffff  }
0xd7: {  	v21 =	vld [tilespmem:$0x1100];
	v11 =	vadd.s32 v14, v11  }
0xd8: {  	v9 =	vld [tilespmem:$0x1080];
	[tilespmem:v10+s18+$0x0] =	vst.idx.msk $0xffff, v1;
	v19 =	vadd.s32 v0, v11  }
0xd9: {  	v29 =	vld.idx.msk [tilespmem:v18+s16+$0x0], $0xffff  }
0xda: {  	v12 =	vadd.s32 v11, v12;
	v41 =	vld.idx.msk [tilespmem:v18+s17+$0x0], $0xffff  }
0xdb: {  	v13 =	vadd.s32 v12, v13;
	v52 =	vld.idx.msk [tilespmem:v18+s15+$0x0], $0xffff  }
0xdc: {  	[tilespmem:v24+s18+$0x0] =	vst.idx.msk $0xffff, v1;
	v20 =	vadd.s32 v0, v12;
	v15 =	vadd.s32 v13, v15;
	v18 =	vld.idx.msk [tilespmem:v18+s11+$0x0], $0xffff  }
0xdd: {  	v27 =	vadd.s32 v15, v16;
	v16 =	vld.idx.msk [tilespmem:v19+s16+$0x0], $0xffff  }
0xde: {  	v22 =	vadd.s32 v0, v13;
	v40 =	vld.idx.msk [tilespmem:v19+s17+$0x0], $0xffff  }
0xdf: {  	v14 =	vsub.s32 s0, v14;
	v50 =	vld.idx.msk [tilespmem:v19+s15+$0x0], $0xffff  }
0xe0: {  	[tilespmem:v25+s18+$0x0] =	vst.idx.msk $0xffff, v1;
	v11 =	vsub.s32 s1, v11;
	v14 =	vcvt.s32.f32 v14;
	v19 =	vld.idx.msk [tilespmem:v19+s11+$0x0], $0xffff  }
0xe1: {  	s31 =	simm.s32 $0x8;
	v11 =	vcvt.s32.f32 v11;
	v13 =	vsub.s32 s6, v13;
	v32 =	vld.idx.msk [tilespmem:v20+s16+$0x0], $0xffff  }
0xe2: {  	[tilespmem:v28+s18+$0x0] =	vst.idx.msk $0xffff, v1;
	v47 =	vadd.f32 $-5.000000000e-01, v14;
	v14 =	vadd.s32 s31, v2;
	v13 =	vcvt.s32.f32 v13;
	v39 =	vld.idx.msk [tilespmem:v20+s17+$0x0], $0xffff  }
0xe3: {  	v33 =	vld.idx.msk [tilespmem:v22+s16+$0x0], $0xffff  }
0xe4: {  	v43 =	vadd.f32 $-5.000000000e-01, v11;
	v13 =	vadd.f32 $-5.000000000e-01, v13;
	v37 =	vld.idx.msk [tilespmem:v22+s17+$0x0], $0xffff  }
0xe5: {  	v26 =	vadd.s32 v0, v15;
	v48 =	vld.idx.msk [tilespmem:v22+s15+$0x0], $0xffff  }
0xe6: {  	v49 =	vmul.f32 $7.751937950e-03, v13;
	v13 =	vmul.f32 $7.751937950e-03, v43;
	v43 =	vld.idx.msk [tilespmem:v20+s15+$0x0], $0xffff  }
0xe7: {  	s30 =	simm.s32 $0x6;
	v12 =	vsub.s32 s2, v12;
	v54 =	vld.idx.msk [tilespmem:v14+s18+$0x0], $0xffff  }
0xe8: {  	v12 =	vcvt.s32.f32 v12;
	v15 =	vsub.s32 s9, v15;
	v11 =	vadd.s32 s30, v2;
	v22 =	vld.idx.msk [tilespmem:v22+s11+$0x0], $0xffff  }
0xe9: {  	[tilespmem:v30+s18+$0x0] =	vst.idx.msk $0xffff, v1;
	v31 =	vadd.s32 v0, v27;
	v15 =	vcvt.s32.f32 v15;
	v38 =	vsub.s32 s20, v27;
	v20 =	vld.idx.msk [tilespmem:v20+s11+$0x0], $0xffff  }
0xea: {  	s26 =	simm.s32 $0x7;
	v38 =	vcvt.s32.f32 v38;
	v17 =	vld.idx.msk [tilespmem:v26+s16+$0x0], $0xffff  }
0xeb: {  	v44 =	vadd.f32 $-5.000000000e-01, v12;
	v12 =	vadd.s32 s26, v2;
	v15 =	vadd.f32 $-5.000000000e-01, v15;
	v36 =	vld.idx.msk [tilespmem:v26+s17+$0x0], $0xffff  }
0xec: {  	v47 =	vmul.f32 $7.751937950e-03, v47;
	v38 =	vadd.f32 $-5.000000000e-01, v38;
	v45 =	vld.idx.msk [tilespmem:v26+s15+$0x0], $0xffff  }
0xed: {  	[tilespmem:v23+s18+$0x0] =	vst.idx.msk $0xffff, v1;
	s6 =	simm.s32 $0x9;
	v44 =	vmul.f32 $7.751937950e-03, v44;
	v46 =	vmul.f32 $7.751937950e-03, v15;
	v62 =	vld.idx.msk [tilespmem:v11+s18+$0x0], $0xffff  }
0xee: {  	s9 =	simm.s32 $0xA;
	[tilespmem:v14+s18+$0x0] =	vst.idx.msk $0xffff, v1;
	v15 =	vadd.s32 s6, v2;
	v34 =	vld.idx.msk [tilespmem:v31+s16+$0x0], $0xffff;
	v38 =	vmul.f32 $7.751937950e-03, v38;
	v29 =	vmul.f32 v47, v29  }
0xef: {  	v35 =	vld.idx.msk [tilespmem:v31+s17+$0x0], $0xffff;
	v51 =	vmul.f32 v13, v16;
	v16 =	vadd.s32 s9, v2;
	v13 =	vsub.f32 v21, v9  }
0xf0: {  	s20 =	simm.s32 $0xB;
	v21 =	vmul.f32 v44, v32;
	v29 =	vsub.f32 v29, v41;
	v63 =	vmul.f32 v49, v33;
	v49 =	vld.idx.msk [tilespmem:v12+s18+$0x0], $0xffff  }
0xf1: {  	[tilespmem:v11+s18+$0x0] =	vst.idx.msk $0xffff, v1;
	v55 =	vsub.f32 v51, v40;
	v46 =	vmul.f32 v46, v17;
	v17 =	vadd.s32 s20, v2  }
0xf2: {  	v26 =	vld.idx.msk [tilespmem:v26+s11+$0x0], $0xffff;
	v21 =	vsub.f32 v21, v39;
	v29 =	vmax.f32 v29, $0.0e+00;
	v27 =	vadd.s32 v27, v62  }
0xf3: {  	v56 =	vld.idx.msk [tilespmem:v15+s18+$0x0], $0xffff;
	v34 =	vmul.f32 v38, v34;
	v32 =	vsub.f32 v63, v37;
	v33 =	vadd.s32 v0, v27  }
0xf4: {  	v42 =	vld.idx.msk [tilespmem:v31+s15+$0x0], $0xffff;
	v29 =	vmul.f32 v29, v52;
	v53 =	vsub.f32 v46, v36;
	v36 =	vmax.f32 v55, $0.0e+00  }
0xf5: {  	v57 =	vld.idx.msk [tilespmem:v16+s18+$0x0], $0xffff;
	v21 =	vmax.f32 v21, $0.0e+00;
	v34 =	vsub.f32 v34, v35;
	v62 =	vadd.s32 v27, v49  }
0xf6: {  	[tilespmem:v12+s18+$0x0] =	vst.idx.msk $0xffff, v1;
	v59 =	vmax.f32 v32, $0.0e+00;
	v32 =	vadd.s32 v0, v62;
	v35 =	vadd.s32 v62, v54  }
0xf7: {  	v61 =	vld.idx.msk [tilespmem:v31+s11+$0x0], $0xffff;
	v21 =	vmul.f32 v21, v43;
	v36 =	vmul.f32 v36, v50;
	v31 =	vadd.s32 v0, v35  }
0xf8: {  	[tilespmem:v15+s18+$0x0] =	vst.idx.msk $0xffff, v1;
	v29 =	vadd.f32 v29, v18;
	v58 =	vmax.f32 v53, $0.0e+00;
	v37 =	vadd.s32 v35, v56  }
0xf9: {  	v41 =	vmul.f32 v59, v48;
	v27 =	vsub.s32 s30, v27;
	v60 =	vld.idx.msk [tilespmem:v17+s18+$0x0], $0xffff;
	v44 =	vadd.s32 v0, v37  }
0xfa: {  	v34 =	vmax.f32 v34, $0.0e+00;
	v40 =	vmul.f32 v58, v45;
	v46 =	vld.idx.msk [tilespmem:v33+s16+$0x0], $0xffff;
	v39 =	vadd.s32 v37, v57  }
0xfb: {  	v34 =	vmul.f32 v34, v42;
	v42 =	vsub.s32 s26, v62;
	v43 =	vadd.s32 v0, v39;
	v63 =	vld.idx.msk [tilespmem:v32+s16+$0x0], $0xffff  }
0xfc: {  	[tilespmem:v16+s18+$0x0] =	vst.idx.msk $0xffff, v1;
	v27 =	vcvt.s32.f32 v27;
	v20 =	vadd.f32 v21, v20;
	v42 =	vcvt.s32.f32 v42;
	v57 =	vld.idx.msk [tilespmem:v31+s16+$0x0], $0xffff  }
0xfd: {  	v36 =	vadd.f32 v36, v19;
	v52 =	vmul.f32 v29, v13;
	v35 =	vsub.s32 s31, v35;
	v62 =	vld.idx.msk [tilespmem:v31+s17+$0x0], $0xffff  }
0xfe: {  	v21 =	vadd.f32 v41, v22;
	v42 =	vadd.f32 $-5.000000000e-01, v42;
	v45 =	vadd.s32 v39, v60;
	v58 =	vld.idx.msk [tilespmem:v44+s16+$0x0], $0xffff  }
0xff: {  	v35 =	vcvt.s32.f32 v35;
	v34 =	vadd.f32 v34, v61;
	v47 =	vadd.s32 v0, v45;
	v61 =	vld.idx.msk [tilespmem:v44+s17+$0x0], $0xffff  }
0x100: {  	v37 =	vsub.s32 s6, v37;
	v50 =	vmul.f32 v20, v13;
	v60 =	vmul.f32 $7.751937950e-03, v42;
	v59 =	vld.idx.msk [tilespmem:v43+s16+$0x0], $0xffff  }
0x101: {  	v27 =	vadd.f32 $-5.000000000e-01, v27;
	v36 =	vmul.f32 v36, v13;
	v37 =	vcvt.s32.f32 v37;
	v55 =	vld.idx.msk [tilespmem:v43+s17+$0x0], $0xffff  }
0x102: {  	s25 =	simm.s32 $0xC;
	v35 =	vadd.f32 $-5.000000000e-01, v35;
	v39 =	vsub.s32 s9, v39;
	v38 =	vmul.f32 v60, v63;
	v63 =	vld.idx.msk [tilespmem:v32+s17+$0x0], $0xffff  }
0x103: {  	v18 =	vadd.s32 s25, v2;
	[tilespmem:v17+s18+$0x0] =	vst.idx.msk $0xffff, v1;
	v27 =	vmul.f32 $7.751937950e-03, v27;
	v39 =	vcvt.s32.f32 v39;
	v60 =	vld.idx.msk [tilespmem:v31+s15+$0x0], $0xffff  }
0x104: {  	v51 =	vmul.f32 v21, v13;
	v37 =	vadd.f32 $-5.000000000e-01, v37;
	v35 =	vmul.f32 $7.751937950e-03, v35;
	v53 =	vld.idx.msk [tilespmem:v47+s16+$0x0], $0xffff  }
0x105: {  	v56 =	vsub.s32 s20, v45;
	v27 =	vmul.f32 v27, v46;
	v39 =	vadd.f32 $-5.000000000e-01, v39;
	v54 =	vld.idx.msk [tilespmem:v47+s17+$0x0], $0xffff  }
0x106: {  	s26 =	simm.s32 $0xD;
	v26 =	vadd.f32 v40, v26;
	v49 =	vcvt.s32.f32 v56;
	v22 =	vmul.f32 v35, v57;
	v57 =	vld.idx.msk [tilespmem:v33+s17+$0x0], $0xffff  }
0x107: {  	v19 =	vadd.s32 s26, v2;
	v37 =	vmul.f32 $7.751937950e-03, v37;
	v39 =	vmul.f32 $7.751937950e-03, v39;
	v46 =	vld.idx.msk [tilespmem:v47+s15+$0x0], $0xffff  }
0x108: {  	v36 =	vadd.f32 v36, v9;
	v34 =	vmul.f32 v34, v13;
	v49 =	vadd.f32 $-5.000000000e-01, v49;
	v35 =	vld.idx.msk [tilespmem:v47+s11+$0x0], $0xffff  }
0x109: {  	s28 =	simm.s32 $0xE;
	v51 =	vadd.f32 v51, v9;
	v37 =	vmul.f32 v37, v58;
	v39 =	vmul.f32 v39, v59;
	v59 =	vld.idx.msk [tilespmem:v44+s15+$0x0], $0xffff  }
0x10a: {  	v21 =	vadd.s32 s28, v2;
	v26 =	vmul.f32 v26, v13;
	[tilespmem:v24+s19+$0x0] =	vst.idx.msk $0xffff, v36;
	v49 =	vmul.f32 $7.751937950e-03, v49;
	v44 =	vld.idx.msk [tilespmem:v44+s11+$0x0], $0xffff  }
0x10b: {  	v34 =	vadd.f32 v34, v9;
	[tilespmem:v28+s19+$0x0] =	vst.idx.msk $0xffff, v51;
	v37 =	vsub.f32 v37, v61;
	v61 =	vld.idx.msk [tilespmem:v32+s15+$0x0], $0xffff  }
0x10c: {  	s29 =	simm.s32 $0xF;
	s31 =	simm.s32 $0x11;
	v40 =	vsub.f32 v22, v62;
	v62 =	vsub.f32 v38, v63;
	v63 =	vld.idx.msk [tilespmem:v18+s18+$0x0], $0xffff;
	v58 =	vmul.f32 v49, v53  }
0x10d: {  	s30 =	simm.s32 $0x10;
	v20 =	vadd.s32 s29, v2;
	[tilespmem:v23+s19+$0x0] =	vst.idx.msk $0xffff, v34;
	v23 =	vadd.s32 s31, v2;
	v39 =	vsub.f32 v39, v55;
	v49 =	vld.idx.msk [tilespmem:v43+s15+$0x0], $0xffff  }
0x10e: {  	v22 =	vadd.s32 s30, v2;
	[tilespmem:v18+s18+$0x0] =	vst.idx.msk $0xffff, v1;
	v40 =	vmax.f32 v40, $0.0e+00;
	v48 =	vsub.f32 v58, v54;
	v54 =	vld.idx.msk [tilespmem:v33+s15+$0x0], $0xffff  }
0x10f: {  	v27 =	vsub.f32 v27, v57;
	v37 =	vmax.f32 v37, $0.0e+00;
	v57 =	vld.idx.msk [tilespmem:v19+s18+$0x0], $0xffff;
	v40 =	vmul.f32 v40, v60  }
0x110: {  	[tilespmem:v19+s18+$0x0] =	vst.idx.msk $0xffff, v1;
	v53 =	vadd.f32 v26, v9;
	v56 =	vmax.f32 v39, $0.0e+00;
	v34 =	vmax.f32 v62, $0.0e+00;
	v39 =	vld.idx.msk [tilespmem:v43+s11+$0x0], $0xffff  }
0x111: {  	v58 =	vld.idx.msk [tilespmem:v21+s18+$0x0], $0xffff;
	v37 =	vmul.f32 v37, v59;
	v42 =	vmul.f32 v34, v61;
	v48 =	vmax.f32 v48, $0.0e+00  }
0x112: {  	v27 =	vmax.f32 v27, $0.0e+00;
	v59 =	vld.idx.msk [tilespmem:v20+s18+$0x0], $0xffff;
	v41 =	vmul.f32 v48, v46;
	v48 =	vmul.f32 v56, v49  }
0x113: {  	v60 =	vld.idx.msk [tilespmem:v22+s18+$0x0], $0xffff;
	v54 =	vmul.f32 v27, v54;
	v27 =	vadd.s32 v45, v63;
	v45 =	vadd.f32 v50, v9  }
0x114: {  	v61 =	vld.idx.msk [tilespmem:v23+s18+$0x0], $0xffff;
	v41 =	vadd.f32 v41, v35;
	v26 =	vadd.s32 v0, v27;
	v29 =	vadd.s32 v27, v57  }
0x115: {  	v49 =	vld.idx.msk [tilespmem:v32+s11+$0x0], $0xffff;
	v36 =	vadd.f32 v48, v39;
	v43 =	vsub.s32 s25, v27;
	v27 =	vadd.s32 v0, v29  }
0x116: {  	[tilespmem:v30+s19+$0x0] =	vst.idx.msk $0xffff, v53;
	v50 =	vld.idx.msk [tilespmem:v31+s11+$0x0], $0xffff;
	v46 =	vadd.s32 v29, v58;
	v47 =	vsub.s32 s26, v29;
	v28 =	vcvt.s32.f32 v43  }
0x117: {  	v57 =	vld.idx.msk [tilespmem:v33+s11+$0x0], $0xffff;
	v29 =	vadd.s32 v0, v46;
	v38 =	vadd.s32 v46, v59;
	v46 =	vsub.s32 s28, v46  }
0x118: {  	[tilespmem:v25+s19+$0x0] =	vst.idx.msk $0xffff, v45;
	v31 =	vadd.s32 v0, v38;
	v62 =	vsub.s32 s29, v38;
	v38 =	vadd.s32 v38, v60  }
0x119: {  	v47 =	vcvt.s32.f32 v47;
	v32 =	vadd.s32 v0, v38;
	v34 =	vadd.s32 v38, v61;
	v58 =	vld.idx.msk [tilespmem:v26+s16+$0x0], $0xffff  }
0x11a: {  	v45 =	vadd.f32 v42, v49;
	v56 =	vsub.s32 s30, v38;
	v33 =	vadd.s32 v0, v34;
	v30 =	vld.idx.msk [tilespmem:v27+s16+$0x0], $0xffff  }
0x11b: {  	[tilespmem:v21+s18+$0x0] =	vst.idx.msk $0xffff, v1;
	v46 =	vcvt.s32.f32 v46;
	v25 =	vadd.f32 $-5.000000000e-01, v28;
	v63 =	vcvt.s32.f32 v56;
	v42 =	vld.idx.msk [tilespmem:v27+s17+$0x0], $0xffff  }
0x11c: {  	[tilespmem:v20+s18+$0x0] =	vst.idx.msk $0xffff, v1;
	v61 =	vcvt.s32.f32 v62;
	v47 =	vadd.f32 $-5.000000000e-01, v47;
	v60 =	vsub.s32 s31, v34;
	v56 =	vld.idx.msk [tilespmem:v29+s16+$0x0], $0xffff  }
0x11d: {  	[tilespmem:v22+s18+$0x0] =	vst.idx.msk $0xffff, v1;
	v46 =	vadd.f32 $-5.000000000e-01, v46;
	v62 =	vcvt.s32.f32 v60;
	v38 =	vadd.f32 $-5.000000000e-01, v63;
	v51 =	vld.idx.msk [tilespmem:v31+s16+$0x0], $0xffff  }
0x11e: {  	[tilespmem:v23+s18+$0x0] =	vst.idx.msk $0xffff, v1;
	v25 =	vmul.f32 $7.751937950e-03, v25;
	v24 =	vmul.f32 $7.751937950e-03, v47;
	v63 =	vadd.f32 $-5.000000000e-01, v61;
	v55 =	vld.idx.msk [tilespmem:v32+s16+$0x0], $0xffff  }
0x11f: {  	v47 =	vmul.f32 $7.751937950e-03, v46;
	v53 =	vadd.f32 $-5.000000000e-01, v62;
	v59 =	vmul.f32 $7.751937950e-03, v38;
	v60 =	vld.idx.msk [tilespmem:v33+s16+$0x0], $0xffff  }
0x120: {  	v48 =	vadd.f32 v40, v50;
	v28 =	vmul.f32 $7.751937950e-03, v63;
	v43 =	vld.idx.msk [tilespmem:v32+s17+$0x0], $0xffff;
	v63 =	vmul.f32 v41, v13  }
0x121: {  	v61 =	vadd.f32 v37, v44;
	v53 =	vmul.f32 $7.751937950e-03, v53;
	v38 =	vld.idx.msk [tilespmem:v33+s17+$0x0], $0xffff;
	v35 =	vmul.f32 v25, v58  }
0x122: {  	v46 =	vld.idx.msk [tilespmem:v31+s17+$0x0], $0xffff;
	v25 =	vmul.f32 v48, v13;
	v37 =	vmul.f32 v24, v30  }
0x123: {  	v40 =	vadd.f32 v52, v9;
	v44 =	vld.idx.msk [tilespmem:v29+s17+$0x0], $0xffff;
	v30 =	vmul.f32 v61, v13;
	v39 =	vmul.f32 v47, v56  }
0x124: {  	v41 =	vld.idx.msk [tilespmem:v26+s17+$0x0], $0xffff;
	v24 =	vadd.f32 v54, v57;
	v49 =	vmul.f32 v59, v55;
	v50 =	vmul.f32 v53, v60  }
0x125: {  	s24 =	simm.s32 $0x12;
	v48 =	vadd.f32 v63, v9;
	v47 =	vmul.f32 v28, v51;
	v28 =	vmul.f32 v36, v13;
	v36 =	vld.idx.msk [tilespmem:v33+s15+$0x0], $0xffff  }
.LBB2_11:
0x126: {  	v51 =	vadd.s32 s24, v2;
	s25 =	sadd.s32 $0x1, s24;
	p0 =	slt.u32 s24, $0xFC;
	v52 =	vld.idx.msk [tilespmem:v32+s15+$0x0], $0xffff;
	v43 =	vsub.f32 v49, v43;
	v38 =	vsub.f32 v50, v38  }
0x127: {  	s26 =	sadd.s32 $0x2, s24;
	v46 =	vsub.f32 v47, v46;
	v45 =	vmul.f32 v45, v13;
	v49 =	vadd.s32 s25, v2;
	v50 =	vld.idx.msk [tilespmem:v31+s15+$0x0], $0xffff  }
0x128: {  	s28 =	sadd.s32 $0x3, s24;
	v47 =	vadd.s32 s26, v2;
	v39 =	vsub.f32 v39, v44;
	v53 =	vld.idx.msk [tilespmem:v29+s15+$0x0], $0xffff;
	v38 =	vmax.f32 v38, $0.0e+00;
	[tilespmem:v17+s19+$0x0] =	vst.idx.msk $0xffff, v48  }
0x129: {  	s30 =	sadd.s32 $0x4, s24;
	v44 =	vadd.s32 s28, v2;
	v55 =	vsub.f32 v37, v42;
	v37 =	vmax.f32 v43, $0.0e+00;
	v48 =	vld.idx.msk [tilespmem:v27+s15+$0x0], $0xffff;
	[tilespmem:v10+s19+$0x0] =	vst.idx.msk $0xffff, v40  }
0x12a: {  	s29 =	sadd.s32 $0x5, s24;
	v40 =	vadd.s32 s30, v2;
	v35 =	vsub.f32 v35, v41;
	v41 =	vmax.f32 v46, $0.0e+00;
	v10 =	vmovc v11;
	v11 =	vmovc v18;
	v42 =	vld.idx.msk [tilespmem:v26+s15+$0x0], $0xffff  }
0x12b: {  	v46 =	vadd.s32 s29, v2;
	v39 =	vmax.f32 v39, $0.0e+00;
	v18 =	vmovc v51;
	v54 =	vmax.f32 v55, $0.0e+00;
	v43 =	vld.idx.msk [tilespmem:v51+s18+$0x0], $0xffff;
	[tilespmem:v51+s18+$0x0] =	vst.idx.msk $0xffff, v1  }
0x12c: {  	v17 =	vmov v23;
	v36 =	vmul.f32 v38, v36;
	v35 =	vmax.f32 v35, $0.0e+00;
	v51 =	vld.idx.msk [tilespmem:v49+s18+$0x0], $0xffff;
	[tilespmem:v49+s18+$0x0] =	vst.idx.msk $0xffff, v1  }
0x12d: {  	v37 =	vmul.f32 v37, v52;
	v41 =	vmul.f32 v41, v50;
	v38 =	vld.idx.msk [tilespmem:v47+s18+$0x0], $0xffff;
	[tilespmem:v47+s18+$0x0] =	vst.idx.msk $0xffff, v1  }
0x12e: {  	v52 =	vmul.f32 v24, v13;
	v39 =	vmul.f32 v39, v53;
	v50 =	vld.idx.msk [tilespmem:v44+s18+$0x0], $0xffff;
	[tilespmem:v44+s18+$0x0] =	vst.idx.msk $0xffff, v1  }
0x12f: {  	v28 =	vadd.f32 v28, v9;
	v48 =	vmul.f32 v54, v48;
	v24 =	vld.idx.msk [tilespmem:v40+s18+$0x0], $0xffff;
	[tilespmem:v40+s18+$0x0] =	vst.idx.msk $0xffff, v1  }
0x130: {  	v30 =	vadd.f32 v30, v9;
	v42 =	vmul.f32 v35, v42;
	v53 =	vld.idx.msk [tilespmem:v46+s18+$0x0], $0xffff;
	[tilespmem:v46+s18+$0x0] =	vst.idx.msk $0xffff, v1  }
0x131: {  	v25 =	vadd.f32 v25, v9;
	v54 =	vadd.s32 v34, v43;
	v43 =	vadd.f32 v45, v9;
	v35 =	vld.idx.msk [tilespmem:v33+s11+$0x0], $0xffff  }
0x132: {  	v23 =	vmovc v46;
	v33 =	vadd.s32 v0, v54;
	v45 =	vsub.s32 s24, v54;
	v34 =	vadd.s32 v54, v51;
	v51 =	vld.idx.msk [tilespmem:v32+s11+$0x0], $0xffff  }
0x133: {  	v46 =	vadd.s32 v0, v34;
	v54 =	vsub.s32 s25, v34;
	v32 =	vadd.s32 v34, v38;
	v55 =	vld.idx.msk [tilespmem:v31+s11+$0x0], $0xffff  }
0x134: {  	v38 =	vsub.s32 s26, v32;
	v34 =	vadd.s32 v32, v50;
	v50 =	vld.idx.msk [tilespmem:v29+s11+$0x0], $0xffff;
	v29 =	vadd.s32 v0, v32  }
0x135: {  	v31 =	vadd.s32 v0, v34;
	v56 =	vsub.s32 s28, v34;
	v24 =	vadd.s32 v34, v24;
	v57 =	vld.idx.msk [tilespmem:v27+s11+$0x0], $0xffff;
	v27 =	vmovc v46  }
0x136: {  	v32 =	vadd.s32 v0, v24;
	v58 =	vsub.s32 s30, v24;
	v34 =	vadd.s32 v24, v53;
	v24 =	vld.idx.msk [tilespmem:v26+s11+$0x0], $0xffff;
	v26 =	vmovc v33  }
0x137: {  	v58 =	vcvt.s32.f32 v58;
	v59 =	vsub.s32 s29, v34;
	v53 =	vld.idx.msk [tilespmem:v33+s16+$0x0], $0xffff;
	v33 =	vadd.s32 v0, v34;
	[tilespmem:v16+s19+$0x0] =	vst.idx.msk $0xffff, v28  }
0x138: {  	v36 =	vadd.f32 v36, v35;
	v16 =	vcvt.s32.f32 v56;
	v28 =	vld.idx.msk [tilespmem:v46+s16+$0x0], $0xffff;
	v46 =	vcvt.s32.f32 v59;
	[tilespmem:v15+s19+$0x0] =	vst.idx.msk $0xffff, v30  }
0x139: {  	v61 =	vcvt.s32.f32 v54;
	v35 =	vcvt.s32.f32 v38;
	v38 =	vadd.f32 $-5.000000000e-01, v58;
	v30 =	vld.idx.msk [tilespmem:v29+s16+$0x0], $0xffff;
	[tilespmem:v14+s19+$0x0] =	vst.idx.msk $0xffff, v25;
	v14 =	vmovc v21  }
0x13a: {  	v25 =	vcvt.s32.f32 v45;
	v62 =	vadd.f32 $-5.000000000e-01, v16;
	v54 =	vld.idx.msk [tilespmem:v31+s16+$0x0], $0xffff;
	v45 =	vadd.f32 $-5.000000000e-01, v46;
	[tilespmem:v12+s19+$0x0] =	vst.idx.msk $0xffff, v43;
	v12 =	vmovc v19  }
0x13b: {  	v35 =	vadd.f32 $-5.000000000e-01, v35;
	v21 =	vmovc v47;
	v43 =	vadd.f32 $-5.000000000e-01, v61;
	v58 =	vmul.f32 $7.751937950e-03, v38;
	v19 =	vmovc v49;
	v56 =	vld.idx.msk [tilespmem:v32+s16+$0x0], $0xffff  }
0x13c: {  	v15 =	vmovc v20;
	v20 =	vmovc v44;
	v25 =	vadd.f32 $-5.000000000e-01, v25;
	v47 =	vmul.f32 $7.751937950e-03, v62;
	v59 =	vld.idx.msk [tilespmem:v33+s16+$0x0], $0xffff;
	v60 =	vmul.f32 $7.751937950e-03, v45  }
0x13d: {  	v51 =	vadd.f32 v37, v51;
	v35 =	vmul.f32 $7.751937950e-03, v35;
	v16 =	vmovc v22;
	v22 =	vmovc v40;
	v44 =	vmul.f32 $7.751937950e-03, v43;
	v38 =	vld.idx.msk [tilespmem:v33+s17+$0x0], $0xffff  }
0x13e: {  	v55 =	vadd.f32 v41, v55;
	v61 =	vadd.f32 v39, v50;
	v25 =	vmul.f32 $7.751937950e-03, v25;
	v43 =	vld.idx.msk [tilespmem:v32+s17+$0x0], $0xffff  }
.Ltmp4:
0x13f: {  	v45 =	vadd.f32 v48, v57;
	v37 =	vmul.f32 v44, v28;
	v39 =	vmul.f32 v35, v30;
	v46 =	vld.idx.msk [tilespmem:v31+s17+$0x0], $0xffff;
	(pc) =	sbr.rel @p0 .LBB2_11-.Ltmp4, $4  }
0x140: {  	v24 =	vadd.f32 v42, v24;
	v35 =	vmul.f32 v25, v53;
	v47 =	vmul.f32 v47, v54;
	v44 =	vld.idx.msk [tilespmem:v29+s17+$0x0], $0xffff  }
0x141: {  	v40 =	vadd.f32 v52, v9;
	v48 =	vmul.f32 v36, v13;
	v49 =	vmul.f32 v58, v56;
	v42 =	vld.idx.msk [tilespmem:v27+s17+$0x0], $0xffff  }
0x142: {  	v28 =	vmul.f32 v51, v13;
	v50 =	vmul.f32 v60, v59;
	v41 =	vld.idx.msk [tilespmem:v26+s17+$0x0], $0xffff  }
0x143: {  	s24 =	sadd.s32 $0x6, s24;
	v30 =	vmul.f32 v55, v13;
	v48 =	vadd.f32 v48, v9;
	v25 =	vmul.f32 v61, v13;
	v36 =	vld.idx.msk [tilespmem:v33+s15+$0x0], $0xffff  }
0x144: {  	_ =	sdelay $0x3  }
0x145: {  	v34 =	vld.idx.msk [tilespmem:v32+s15+$0x0], $0xffff  }
0x146: {  	v51 =	vld.idx.msk [tilespmem:v31+s15+$0x0], $0xffff  }
0x147: {  	v61 =	vld.idx.msk [tilespmem:v29+s15+$0x0], $0xffff  }
0x148: {  	v62 =	vld.idx.msk [tilespmem:v27+s15+$0x0], $0xffff  }
0x149: {  	v43 =	vsub.f32 v49, v43;
	v63 =	vld.idx.msk [tilespmem:v26+s15+$0x0], $0xffff  }
0x14a: {  	v38 =	vsub.f32 v50, v38;
	v46 =	vsub.f32 v47, v46;
	v45 =	vmul.f32 v45, v13;
	v33 =	vld.idx.msk [tilespmem:v33+s11+$0x0], $0xffff  }
0x14b: {  	[tilespmem:v10+s19+$0x0] =	vst.idx.msk $0xffff, v40;
	v28 =	vadd.f32 v28, v9;
	v24 =	vmul.f32 v24, v13;
	v52 =	vld.idx.msk [tilespmem:v27+s11+$0x0], $0xffff  }
0x14c: {  	v39 =	vsub.f32 v39, v44;
	[tilespmem:v17+s19+$0x0] =	vst.idx.msk $0xffff, v48;
	v48 =	vld.idx.msk [tilespmem:v31+s11+$0x0], $0xffff;
	v30 =	vadd.f32 v30, v9  }
0x14d: {  	v25 =	vadd.f32 v25, v9;
	v37 =	vsub.f32 v37, v42;
	v10 =	vmax.f32 v46, $0.0e+00;
	v46 =	vld.idx.msk [tilespmem:v32+s11+$0x0], $0xffff  }
0x14e: {  	v38 =	vmax.f32 v38, $0.0e+00;
	[tilespmem:v16+s19+$0x0] =	vst.idx.msk $0xffff, v28;
	v56 =	vadd.f32 v45, v9;
	v24 =	vadd.f32 v24, v9  }
0x14f: {  	v44 =	vmax.f32 v43, $0.0e+00;
	v35 =	vsub.f32 v35, v41;
	[tilespmem:v15+s19+$0x0] =	vst.idx.msk $0xffff, v30;
	v36 =	vmul.f32 v38, v36  }
0x150: {  	[tilespmem:v14+s19+$0x0] =	vst.idx.msk $0xffff, v25;
	v10 =	vmul.f32 v10, v51;
	v17 =	vmul.f32 v44, v34;
	v51 =	vld.idx.msk [tilespmem:v29+s11+$0x0], $0xffff  }
0x151: {  	v53 =	vld.idx.msk [tilespmem:v26+s11+$0x0], $0xffff;
	v39 =	vmax.f32 v39, $0.0e+00;
	v37 =	vmax.f32 v37, $0.0e+00;
	[tilespmem:v12+s19+$0x0] =	vst.idx.msk $0xffff, v56;
	v54 =	vadd.f32 v36, v33  }
0x152: {  	[tilespmem:v11+s19+$0x0] =	vst.idx.msk $0xffff, v24;
	v35 =	vmax.f32 v35, $0.0e+00;
	v37 =	vmul.f32 v37, v62;
	v57 =	vadd.f32 v17, v46  }
0x153: {  	v50 =	vmul.f32 v39, v61;
	v10 =	vadd.f32 v10, v48;
	v58 =	vmul.f32 v54, v13  }
0x154: {  	v55 =	vmul.f32 v35, v63;
	v60 =	vadd.f32 v37, v52;
	v14 =	vmul.f32 v57, v13  }
0x155: {  	v10 =	vmul.f32 v10, v13;
	v59 =	vadd.f32 v50, v51;
	v15 =	vadd.f32 v58, v9  }
0x156: {  	v61 =	vadd.f32 v55, v53;
	v62 =	vmul.f32 v60, v13;
	v14 =	vadd.f32 v14, v9  }
0x157: {  	v10 =	vadd.f32 v10, v9;
	v12 =	vmul.f32 v59, v13;
	[tilespmem:v23+s19+$0x0] =	vst.idx.msk $0xffff, v15  }
0x158: {  	v11 =	vmul.f32 v61, v13;
	v63 =	vadd.f32 v62, v9;
	[tilespmem:v22+s19+$0x0] =	vst.idx.msk $0xffff, v14  }
0x159: {  	[tilespmem:v20+s19+$0x0] =	vst.idx.msk $0xffff, v10;
	v12 =	vadd.f32 v12, v9  }
0x15a: {  	s0 =	smul.u32 $0x204, s23;
	s22 =	sadd.s32 $0x1, s22;
	[tilespmem:v19+s19+$0x0] =	vst.idx.msk $0xffff, v63;
	v9 =	vadd.f32 v11, v9  }
0x15b: {  	p0 =	sne.s32 s22, $0x80;
	[tilespmem:v21+s19+$0x0] =	vst.idx.msk $0xffff, v12  }
.Ltmp5:
0x15c: {  	s0 =	sadd.s32 s4, s0;
	[tilespmem:v18+s19+$0x0] =	vst.idx.msk $0xffff, v9;
	(pc) =	sbr.rel @p0 .LBB2_6-.Ltmp5, $4  }
0x15d: {  	[hbm4b:s0+s5] =	stream.linear.scatter [tilespmem:s19], [sflag:$0x1], $0x1020, $0x38;
	[tilespmem:$0x5400] =	vst v63  }
0x15e: {  	_ =	swait.ge [sflag:s10], $0x1020  }
0x15f: {  	[sflag:s10] =	ssyncset.done $0x0  }
0x160: {  	[sflag:s10] =	ssyncadd.s32 $0xFFFFEFE0  }
0x161: {  	s1 =	rddreg [dreg:$0x7]  }
0x162: {  	s0 =	rddreg [dreg:$0x6];
	s1 =	sadd.s32 $0x1, s1  }
0x163: {  	p0 =	sne.s32 s1, s0  }
.Ltmp6:
0x164: {  	_ = 	snop;
	(pc) =	sbr.rel @p0 .LBB2_1-.Ltmp6, $1  }
0x165: {  	_ =	sdelay $0x3  }
0x166: {  	_ =	sfence.sel $0x180000  }
0x167: {  	[bflag:$0x0] =	sbarrier.arrive $0xFFFF  }
0x168: {  	_ =	strace $0x90000047  }
0x169: {  	s0 =	stileid.u32;
	[bflag:$0x2] =	sbarrier.arrive $0xFFFF  }
0x16a: {  	p0 =	sne.s32 s0, $0x0;
	s0 =	rddreg [dreg:$0x5]  }
0x16b: {  	s0 =	sadd.s32 @!p0 $0x100000, s0  }
0x16c: {  	[sflag:s0] =	ssyncadd.tile.s32 @!p0 $0x1;
	_ =	shalt  }
.Lfunc_end2:
_tile_overlayer_lowered:
.L_overlay_start_2:
0x16d: {  	(tag) =	ssettag $0x2  }
0x16e: {  	s0 =	rddreg [dreg:$0x0];
	s2 =	stileid.u32  }
0x16f: {  	s1 =	rddreg [dreg:$0x1];
	p0 =	sne.s32 s2, $0x0  }
0x170: {  	s3 =	rddreg [dreg:$0x2];
	[bflag:$0x3] =	sbarrier.arrive $0xFFFF;
	s2 =	simm.s32 @!p0 $0x1C01  }
0x171: {  	[timem:s3], [sflag:s2] =	dma.local @!p0 [hbm:s0], s1  }
0x172: {  	s0 =	simm.s32 @!p0 $0x1  }
0x173: {  	_ =	swait.ge @!p0 [sflag:s0], s1  }
0x174: {  	s1 =	ssub.s32 @!p0 $0x0, s1;
	[sflag:s0] =	ssyncset.done @!p0 $0x0  }
0x175: {  	[sflag:s0] =	ssyncadd.s32 @!p0 s1  }
0x176: {  	[bflag:$0x3] =	sbarrier.arrive $0xFFFF  }
0x177: {  	_ =	shalt  }

// kernel: sparse-core-data-format-call.cloned.1.call-start
scs
called_computation_lowered:
.L_overlay_start_0:
0x0: {  	s2 =	sld [smem:$0x3FD9]  }
0x1: {  	s3 =	sld [smem:$0x3FFE];
	_ =	sdelay $0x1  }
0x2: {  	s1 =	srdreg.scid  }
0x3: {  	s0 =	sand.u32 $0x1, s1  }
0x4: {  	s18 =	sshll.u32 s0, $0xA;
	s2 =	sadd.s32 s3, s2  }
0x5: {  	s2 =	sadd.s32 s2, s18  }
0x6: {  	[smem:$0x3FC4] =	sst s2  }
0x7: {  	_ = 	snop  }
0x8: {  	s2 =	sld [smem:$0x3FD0];
	(tm) =	ssettm $0x1  }
0x9: {  	s19 =	sld [smem:$0x3FFB];
	_ =	sdelay $0x3  }
0xa: {  	_ =	strace s19  }
0xb: {  	s3 =	sld [smem:$0x3FFC];
	_ =	sdelay $0x3  }
0xc: {  	_ =	strace s3  }
0xd: {  	s3 =	sld [smem:$0x3FFD];
	_ =	sdelay $0x3  }
0xe: {  	_ =	strace s3  }
0xf: {  	_ =	strace $0x8FFFFFFF  }
0x10: {  	s20 =	sld [smem:$0x3FDB];
	_ =	sdelay $0x1  }
0x11: {  	s4 =	simm.s32 $_scs_section_size  }
0x12: {  	s5 =	simm.s32 $_size__tile_overlayer_lowered;
	s6 =	simm.s32 $_tile_overlayer_lowered  }
0x13: {  	s23 =	simm.s32 $0x1BFF;
	s22 =	sshll.u32 s6, $0x1;
	s3 =	sadd.s32 s4, s20  }
0x14: {  	s7 =	simm.s32 $0x0;
	s21 =	sshll.u32 s5, $0x1;
	s5 =	sadd.s32 s22, s3  }
0x15: {  	[timem:s7], [sflag:s23] =	dma.local [hbm:s5], s21  }
0x16: {  	_ =	swait.ge [sflag:s23], s21  }
0x17: {  	s4 =	ssub.s32 $0x0, s21;
	[sflag:s23] =	ssyncset.done $0x0  }
0x18: {  	[sflag:s23] =	ssyncadd.s32 s4;
	_ =	sdelay $0x1  }
0x19: {  	s24 =	simm.s32 $0x1B8B  }
0x1a: {  	_ =	swait.ge [sflag:s24], $0x1  }
0x1b: {  	[sflag:s24] =	ssyncset.done $0x0  }
0x1c: {  	s26 =	simm.s32 $0x1B8E;
	s25 =	sld [smem:$0x3FFE];
	[sflag:s24] =	ssyncadd.s32 $0xFFFFFFFF  }
0x1d: {  	s27 =	simm.s32 $execute0_lowered;
	[smem:$0x3FD2] =	sst s26  }
0x1e: {  	s5 =	sshll.u32 s27, $0x1;
	_ =	strace $0x80000049;
	[dreg:$0x1] =	wrdreg $0xFFFFFFFF  }
0x1f: {  	s28 =	simm.s32 $_size_execute0_lowered;
	s3 =	sadd.s32 s3, s5;
	[dreg:$0x0] =	wrdreg $0x0  }
0x20: {  	s5 =	sshll.u32 s28, $0x1;
	[dreg:$0x2] =	wrdreg s3  }
0x21: {  	[dreg:$0x3] =	wrdreg s5  }
0x22: {  	[dreg:$0x4] =	wrdreg $0xC0  }
0x23: {  	_ =	task [dreg:s7], $0x5FFFF  }
0x24: {  	[dreg:$0x1] =	wrdreg $0xFFFFFFFF  }
0x25: {  	[dreg:$0x0] =	wrdreg $0x60  }
0x26: {  	[dreg:$0x2] =	wrdreg s25  }
0x27: {  	[dreg:$0x3] =	wrdreg s2  }
0x28: {  	[dreg:$0x4] =	wrdreg $0x9  }
0x29: {  	_ =	task.clear_ibuf [dreg:s7], $0x5FFFF;
	_ =	strace $0x90000049  }
0x2a: {  	s29 =	simm.s32 $0x9;
	_ =	strace $0x8000004B  }
0x2b: {  	_ =	swait.ge [sflag:s29], $0x1  }
0x2c: {  	[sflag:s29] =	ssyncadd.s32 $0xFFFFFFFF  }
0x2d: {  	_ =	strace $0x9000004B  }
0x2e: {  	_ =	sfence  }
0x2f: {  	s30 =	sld [smem:$0x0];
	_ =	sdelay $0x2  }
0x30: {  	s31 =	sshll.u32 s1, $0xD;
	s1 =	sshrl.u32 s1, $0x2  }
0x31: {  	s3 =	sand.u32 $0x4000, s31;
	s1 =	sadd.s32 s1, s30  }
0x32: {  	s0 =	sor.u32 s3, s0;
	s1 =	sshll.u32 s1, $0x11  }
0x33: {  	s0 =	sor.u32 s1, s0  }
0x34: {  	s0 =	sadd.s32 $0x8F2B, s0  }
0x35: {  	[sflag:s0] =	ssyncadd.remote.s32 $0x1  }
0x36: {  	_ =	sfence.sel $0xFFFF  }
0x37: {  	[dreg:$0x0] =	wrdreg $0xFFFFFFFF;
	(pc) =	sbr.abs _section_cstart, $3  }
0x38: {  	[dreg:$0x1] =	wrdreg $0xFFFFFFFF  }
0x39: {  	_ =	task.clear_ibuf [dreg:s7], $0x2FFFF;
	_ =	strace $0x9FFFFFFF  }
0x3a: {  	(tm) =	ssettm $0x7FFFFFFF  }
0x3b: {  	_ =	shalt  }
tec
execute0_lowered:
.L_overlay_start_1:
0x0: {  	(tag) =	ssettag $0x1  }
0x1: {  	s0 =	srdreg.scid  }
0x2: {  	s1 =	sshll.u32 s0, $0x4  }
0x3: {  	s6 =	rddreg [dreg:$0x0];
	s0 =	stileid.u32;
	s1 =	sand.u32 $0x10, s1  }
0x4: {  	s3 =	rddreg [dreg:$0x1];
	s1 =	sor.u32 s0, s1  }
0x5: {  	s5 =	simm.s32 $0x1;
	s31 =	simm.s32 $0x2;
	s2 =	sshll.u32 s1, $0x7  }
0x6: {  	s15 =	simm.s32 $0x0;
	s8 =	simm.s32 $0x80000;
	s4 =	ssub.s32 $0x10000, s2  }
0x7: {  	s14 =	simm.s32 $0x0;
	s9 =	simm.s32 $0x0;
	s30 =	sand.u32 $0xF80, s4  }
0x8: {  	s10 =	simm.s32 $0x0;
	s11 =	simm.s32 $0x0;
	p0 =	sne.s32 s30, $0x0  }
.Ltmp0:
0x9: {  	s7 =	sshrl.u32 s4, $0xC;
	s5 =	simm.s32 @!p0 $0x0;
	(pc) =	sbr.rel .LBB1_1-.Ltmp0, $4  }
0xa: {  	s13 =	simm.s32 $0x0;
	s1 =	rddreg [dreg:$0x2];
	s5 =	sadd.s32 s5, s7  }
0xb: {  	_ =	strace $0x8000004A;
	s4 =	simm.s32 $0x1;
	s5 =	smul.u32 $0x3, s5  }
0xc: {  	s6 =	sadd.s32 $0x800, s6;
	s12 =	smov.u32 s2;
	[sflag:s4] =	ssyncpa.u1 $0x0  }
0xd: {  	[sflag:s31] =	ssyncpa.u1 $0x0;
	p0 =	por $0x0, $0x0;
	s7 =	sadd.s32 $0x1, s5  }
.LBB1_4:
0xe: {  	s21 =	sshll.u32 s9, $0x10;
	s22 =	sshll.u32 s10, $0x3;
	s20 =	sshra.s32 s20, $0x2  }
0xf: {  	s28 =	sand.u32 $0x78, s10;
	s29 =	sshll.u32 s9, $0x7;
	p1 =	sgt.s32 s9, $0x88  }
0x10: {  	s25 =	sshra.s32 s9, $0x1F;
	s31 =	sshra.s32 s10, $0x1F;
	s21 =	sand.u32 $0xFFF80000, s21  }
0x11: {  	s23 =	sand.u32 $0xFFFFFC00, s22;
	s19 =	sadd.s32 s20, s19;
	s22 =	sand.u32 $0xFC00, s22  }
0x12: {  	v5 =	vld [tilespmem:s17+$0xFFFFFFD0];
	[tilespmem:s18+$0x2040 ss:$0x81] =	vst.msk $0xffff, v4;
	s25 =	sand.u32 s25, s9;
	s27 =	sadd.s32 s23, s21;
	s23 =	sand.u32 $0x380, s29  }
0x13: {  	v58 =	vld [tilespmem:s17+$0xFFFFFFE0];
	[tilespmem:s18+$0x2850 ss:$0x81] =	vst.msk $0xffff, v3;
	s21 =	sor.u32 s28, s22;
	s22 =	smov.u32 s9;
	s20 =	sshrl.u32 s27, $0x10  }
0x14: {  	v59 =	vld [tilespmem:s17+$0xFFFFFFF0];
	[tilespmem:s18+$0x3060 ss:$0x81] =	vst.msk $0xffff, v2;
	s22 =	simm.s32 @!p1 $0x88;
	p1 =	sgt.s32 s10, $0xFF80;
	s24 =	smul.u32 $0xF83F, s20  }
0x15: {  	v60 =	vld [tilespmem:s17+$0x0];
	[tilespmem:s18+$0x0 ss:$0x81] =	vst.msk $0xffff, v1;
	s21 =	sor.u32 s23, s21;
	s30 =	ssub.s32 s22, s25;
	s22 =	smov.u32 s10  }
0x16: {  	v61 =	vld [tilespmem:s17+$0x10];
	[tilespmem:s19+$0x3870 ss:$0x81] =	vst.msk $0xffff, v0;
	s25 =	sand.u32 s31, s10;
	s22 =	simm.s32 @!p1 $0xFF80;
	s24 =	sshrl.u32 s24, $0x18  }
0x17: {  	v62 =	vld [tilespmem:s17+$0x20];
	[tilespmem:s19+$0x810 ss:$0x81] =	vst.msk $0xffff, v5;
	s26 =	sadd.s32 $0xFFFFFF78, s30;
	s22 =	ssub.s32 s22, s25;
	s24 =	smul.u32 $0x108, s24  }
0x18: {  	v63 =	vld [tilespmem:s17+$0xFFFFFFC0];
	[tilespmem:s19+$0x1020 ss:$0x81] =	vst.msk $0xffff, v58;
	s18 =	ssub.s32 $0x108, s30;
	p1 =	sgt.s32 s26, $0x7F;
	s28 =	sadd.s32 $0xFFFF0080, s22  }
0x19: {  	[tilespmem:s19+$0x1830 ss:$0x81] =	vst.msk $0xffff, v59;
	p2 =	sgt.s32 s28, $0x7F;
	s27 =	ssub.s32 s20, s24;
	s20 =	ssub.s32 $0x10000, s22  }
0x1a: {  	s29 =	sshrl.u32 s21, $0x3;
	[tilespmem:s19+$0x2040 ss:$0x81] =	vst.msk $0xffff, v60;
	s18 =	simm.s32 @p1 $0x0;
	s20 =	simm.s32 @p2 $0x0  }
0x1b: {  	[tilespmem:s19+$0x2850 ss:$0x81] =	vst.msk $0xffff, v61;
	s30 =	sand.u32 $0x7, s10;
	s17 =	sand.u32 $0xFFFF, s27;
	s18 =	smul.u32 s20, s18  }
0x1c: {  	[tilespmem:s19+$0x3060 ss:$0x81] =	vst.msk $0xffff, v62;
	s21 =	sshll.u32 s30, $0x12;
	s17 =	sshll.u32 s17, $0xD;
	s20 =	sadd.s32 s3, s29  }
0x1d: {  	[tilespmem:s19+$0x0 ss:$0x81] =	vst.msk $0xffff, v63;
	s31 =	sor.u32 $0x400, s21;
	s17 =	sadd.s32 s17, s20;
	s18 =	sand.u32 $0x3FFFFFFF, s18  }
0x1e: {  	[hbm4b:s17+s31] =	stream.strided.scatter [tilespmem:s16], [sflag:$0x2], s18, s8, s31, $0x20;
	[tilespmem:$0x10100] =	vst v63  }
.LBB1_5:
0x1f: {  	p1 =	slt.u32 s13, $0x2  }
0x20: {  	s17 =	smov.u32 s15;
	p2 =	sgt.s32 @!p1 s15, $0x88;
	s16 =	sshra.s32 @!p1 s15, $0x1F  }
0x21: {  	p3 =	sgt.s32 @!p1 s14, $0xFF80;
	s18 =	sshra.s32 @!p1 s14, $0x1F;
	p2 =	por !p2, p1  }
0x22: {  	s15 =	sand.u32 @!p1 s16, s15;
	p3 =	por !p3, p1;
	s16 =	smov.u32 s14  }
0x23: {  	s14 =	sand.u32 @!p1 s18, s14;
	s17 =	simm.s32 @p2 $0x88;
	s16 =	simm.s32 @p3 $0xFF80  }
0x24: {  	s15 =	ssub.s32 @!p1 s17, s15;
	s14 =	ssub.s32 @!p1 s16, s14  }
0x25: {  	s18 =	smov.u32 s12;
	s16 =	sadd.s32 @!p1 $0xFFFFFF78, s15;
	s17 =	sadd.s32 @!p1 $0xFFFF0080, s14  }
0x26: {  	s15 =	ssub.s32 @!p1 $0x108, s15;
	p2 =	sgt.s32 @!p1 s16, $0x7F;
	p3 =	sgt.s32 @!p1 s17, $0x7F  }
0x27: {  	s14 =	ssub.s32 @!p1 $0x10000, s14;
	p2 =	por !p2, p1;
	p3 =	por !p3, p1  }
0x28: {  	s16 =	sadd.s32 $0x80, s11;
	s15 =	simm.s32 @!p2 $0x0;
	s14 =	simm.s32 @!p3 $0x0  }
0x29: {  	p2 =	sgt.s32 s16, $0x101;
	s14 =	smul.u32 @!p1 s14, s15;
	s15 =	sadd.s32 $0x1000, s12  }
0x2a: {  	s18 =	smov.u32 @p2 s15  }
0x2b: {  	s16 =	simm.s32 @p2 $0x0;
	p2 =	sgt.s32 s18, $0xFFFF  }
0x2c: {  	s18 =	smov.u32 @p2 s2;
	p2 =	sne.s32 s13, s7  }
.Ltmp1:
0x2d: {  	p0 =	por !p0, !p0;
	s17 =	simm.s32 @!p1 $0x2;
	(pc) =	sbr.rel @!p2 .LBB1_6-.Ltmp1, $4  }
0x2e: {  	s15 =	smov.u32 s9;
	s9 =	smov.u32 s11;
	s14 =	sand.u32 @!p1 $0x3FFFFFFF, s14  }
0x2f: {  	s11 =	smov.u32 s16;
	_ =	swait.ge @!p1 [sflag:s17], s14;
	s19 =	ssub.s32 @!p1 $0x0, s14  }
0x30: {  	s14 =	smov.u32 s10;
	s13 =	sadd.s32 $0x1, s13;
	[sflag:s17] =	ssyncset.done @!p1 $0x0  }
0x31: {  	s10 =	smov.u32 s12;
	s12 =	smov.u32 s18;
	[sflag:s17] =	ssyncadd.s32 @!p1 s19  }
.LBB1_1:
0x32: {  	p1 =	sge.u32 s13, s5  }
0x33: {  	s16 =	sshrl.u32 @!p1 s12, $0x3  }
0x34: {  	s17 =	sshll.u32 @!p1 s11, $0x3;
	s16 =	smul.u32 @!p1 $0xC00, s16  }
0x35: {  	s18 =	sshll.u32 @!p1 s12, $0x7;
	s17 =	sand.u32 @!p1 $0xFFFFFC00, s17  }
0x36: {  	s16 =	sadd.s32 @!p1 s16, s17;
	s17 =	sand.u32 @!p1 $0x380, s18  }
0x37: {  	s18 =	sand.u32 @!p1 $0x7F, s11;
	s16 =	sor.u32 @!p1 s17, s16  }
0x38: {  	s17 =	sor.u32 @!p1 s18, s16  }
0x39: {  	s18 =	smulhi.u32 @!p1 $0xAAAAAAAB, s17;
	_ =	sdelay $0x1  }
0x3a: {  	s16 =	smulhi.u32 @!p1 $0xAAAAAAAB, s16;
	s18 =	sshrl.u32 @!p1 s18, $0x8  }
0x3b: {  	s18 =	smul.u32 @!p1 $0x180, s18  }
0x3c: {  	s31 =	sadd.s32 $0xFFFFFFFF, s13;
	s19 =	sxor.u32 @!p1 $0xFFFFFFFF, s13;
	s16 =	sshrl.u32 @!p1 s16, $0x8  }
0x3d: {  	s19 =	sshll.u32 @!p1 s19, $0xE;
	s16 =	sand.u32 @!p1 $0xFFFF, s16;
	s17 =	ssub.s32 @!p1 s17, s18  }
0x3e: {  	s16 =	smul.u32 @!p1 $0x30, s16;
	s18 =	sshrl.u32 @!p1 s17, $0x3;
	s17 =	sand.u32 @!p1 $0x7, s17  }
0x3f: {  	s19 =	sand.u32 @!p1 $0x4000, s19;
	s18 =	sadd.s32 @!p1 s6, s18;
	s17 =	sshll.u32 @!p1 s17, $0x12  }
0x40: {  	s16 =	sadd.s32 @!p1 s16, s18;
	s17 =	sor.u32 @!p1 $0x400, s17;
	s18 =	simm.s32 @!p1 $0xC00  }
0x41: {  	[tilespmem:s19], [sflag:$0x1] =	stream.strided.gather @!p1 [hbm4b:s16+s17], $0x4000, s18, s17, $0x38;
	[tilespmem:$0x10100] =	vst v63  }
0x42: {  	p1 =	sge.u32 s31, s5  }
.Ltmp2:
0x43: {  	_ = 	snop;
	(pc) =	sbr.rel @p1 .LBB1_5-.Ltmp2, $1  }
0x44: {  	_ =	sdelay $0x3  }
0x45: {  	s16 =	simm.s32 $0x1  }
0x46: {  	_ =	swait.ge [sflag:s4], $0x4000;
	s16 =	simm.s32 @!p0 $0x0  }
0x47: {  	[sflag:s4] =	ssyncset.done $0x0;
	s17 =	sshll.u32 s16, $0xE  }
0x48: {  	[sflag:s4] =	ssyncadd.s32 $0xFFFFC000;
	s17 =	sor.u32 $0x40, s17  }
0x49: {  	s16 =	smul.u32 $0x10200, s16;
	v0 =	vld [tilespmem:s17+$0x30]  }
0x4a: {  	v1 =	vld [tilespmem:s17+$0xFFFFFFD0]  }
0x4b: {  	s16 =	sshrl.u32 s16, $0x2;
	v5 =	vld [tilespmem:s17+$0xFFFFFFE0]  }
0x4c: {  	v6 =	vld [tilespmem:s17+$0xFFFFFFF0];
	s19 =	sor.u32 $0x8000, s16  }
0x4d: {  	s31 =	sand.u32 $0x1, s13;
	v4 =	vld [tilespmem:s17+$0x0];
	s18 =	sadd.s32 $0x0, s19  }
0x4e: {  	v3 =	vld [tilespmem:s17+$0x10];
	s16 =	smul.u32 $0x10200, s31;
	[tilespmem:s18+$0x3870 ss:$0x81] =	vst.msk $0xffff, v0  }
0x4f: {  	v2 =	vld [tilespmem:s17+$0x20];
	[tilespmem:s18+$0x810 ss:$0x81] =	vst.msk $0xffff, v1  }
0x50: {  	s16 =	sshrl.u32 s16, $0x2;
	v1 =	vld [tilespmem:s17+$0xFFFFFFC0];
	[tilespmem:s18+$0x1020 ss:$0x81] =	vst.msk $0xffff, v5;
	s17 =	sadd.s32 $0x80, s17  }
0x51: {  	s20 =	simm.s32 $0x4;
	s21 =	simm.s32 $0x8;
	s16 =	sor.u32 $0x8000, s16;
	[tilespmem:s18+$0x1830 ss:$0x81] =	vst.msk $0xffff, v6;
	v0 =	vld [tilespmem:s17+$0x30]  }
.LBB1_3:
0x52: {  	p1 =	sne.s32 s21, $0x1FC;
	v5 =	vld [tilespmem:s17+$0xFFFFFFD0];
	[tilespmem:s18+$0x2040 ss:$0x81] =	vst.msk $0xffff, v4  }
0x53: {  	v6 =	vld [tilespmem:s17+$0xFFFFFFE0];
	[tilespmem:s18+$0x2850 ss:$0x81] =	vst.msk $0xffff, v3  }
0x54: {  	s22 =	sshra.s32 s20, $0x2;
	s20 =	smov.u32 s21;
	v7 =	vld [tilespmem:s17+$0xFFFFFFF0];
	[tilespmem:s18+$0x3060 ss:$0x81] =	vst.msk $0xffff, v2  }
.Ltmp3:
0x55: {  	v4 =	vld [tilespmem:s17+$0x0];
	[tilespmem:s18+$0x0 ss:$0x81] =	vst.msk $0xffff, v1;
	s18 =	sadd.s32 s22, s19;
	(pc) =	sbr.rel @p1 .LBB1_3-.Ltmp3, $4  }
0x56: {  	v3 =	vld [tilespmem:s17+$0x10];
	[tilespmem:s18+$0x3870 ss:$0x81] =	vst.msk $0xffff, v0  }
0x57: {  	[tilespmem:s18+$0x810 ss:$0x81] =	vst.msk $0xffff, v5;
	v2 =	vld [tilespmem:s17+$0x20]  }
0x58: {  	v1 =	vld [tilespmem:s17+$0xFFFFFFC0];
	[tilespmem:s18+$0x1020 ss:$0x81] =	vst.msk $0xffff, v6;
	s17 =	sadd.s32 $0x80, s17  }
0x59: {  	s21 =	sadd.s32 $0x4, s21;
	v0 =	vld [tilespmem:s17+$0x30];
	[tilespmem:s18+$0x1830 ss:$0x81] =	vst.msk $0xffff, v7  }
.Ltmp4:
0x5a: {  	_ = 	snop;
	(pc) =	sbr.rel .LBB1_4-.Ltmp4, $1  }
0x5b: {  	_ =	sdelay $0x3  }
.LBB1_6:
0x5c: {  	_ =	sfence.sel $0x180000  }
0x5d: {  	s2 =	simm.s32 $0x1;
	[bflag:$0x0] =	sbarrier.arrive $0xFFFF  }
0x5e: {  	s31 =	simm.s32 $0x2;
	[sflag:s2] =	ssyncpa.u1 $0x1  }
0x5f: {  	[sflag:s31] =	ssyncpa.u1 $0x1  }
0x60: {  	p0 =	sne.s32 s0, $0x0;
	_ =	strace $0x9000004A  }
0x61: {  	s0 =	sadd.s32 @!p0 $0x100000, s1;
	[bflag:$0x2] =	sbarrier.arrive $0xFFFF  }
0x62: {  	[sflag:s0] =	ssyncadd.tile.s32 @!p0 $0x1;
	_ =	shalt  }
.Lfunc_end1:
_tile_overlayer_lowered:
.L_overlay_start_2:
0x63: {  	(tag) =	ssettag $0x2  }
0x64: {  	s0 =	rddreg [dreg:$0x0];
	s2 =	stileid.u32  }
0x65: {  	s1 =	rddreg [dreg:$0x1];
	p0 =	sne.s32 s2, $0x0  }
0x66: {  	s3 =	rddreg [dreg:$0x2];
	[bflag:$0x3] =	sbarrier.arrive $0xFFFF;
	s2 =	simm.s32 @!p0 $0x1C01  }
0x67: {  	[timem:s3], [sflag:s2] =	dma.local @!p0 [hbm:s0], s1  }
0x68: {  	s0 =	simm.s32 @!p0 $0x1  }
0x69: {  	_ =	swait.ge @!p0 [sflag:s0], s1  }
0x6a: {  	s1 =	ssub.s32 @!p0 $0x0, s1;
	[sflag:s0] =	ssyncset.done @!p0 $0x0  }
0x6b: {  	[sflag:s0] =	ssyncadd.s32 @!p0 s1  }
0x6c: {  	[bflag:$0x3] =	sbarrier.arrive $0xFFFF  }
0x6d: {  	_ =	shalt  }

</sc_bundles>
